<compile_context>
chip_gen: v7x
topology: tpu7x:2x2x1
jax: 0.10.2.dev20260603
libtpu: 0.0.44.dev20260713+nightly
codegen_flags: <defaults>
</compile_context>

<pallas_src>
import functools

import jax
import jax.numpy as jnp
from jax import lax
from jax.experimental import pallas as pl
from jax.experimental.pallas import tpu as pltpu
from jax.experimental.pallas import tpu_sc as plsc

BATCH = 4
SEQ = 8192
DIM = 1024

TC_ROWS = 0
SC_ROWS = SEQ - TC_ROWS
TC_BLOCK = 2048

NC = 2
NS = 16
NW = NC * NS

ROWS_PER_W = SC_ROWS // NW
CHUNK = 8
CE = CHUNK * DIM
NCHUNK = ROWS_PER_W // CHUNK
UNROLL = 8

_mesh = plsc.VectorSubcoreMesh(
    core_axis_name="c", subcore_axis_name="s", num_cores=NC, num_subcores=NS
)


def _add_chunk(dst, src):

    for r in range(CHUNK):

        @plsc.parallel_loop(0, DIM, 16, unroll=UNROLL)
        def _(off):
            plsc.addupdate(dst.at[r, pl.ds(off, 16)], src[r, pl.ds(off, 16)])


@functools.partial(
    pl.kernel,
    out_type=jax.ShapeDtypeStruct((BATCH, SC_ROWS, DIM), jnp.float32),
    mesh=_mesh,
    scratch_types=[
        pltpu.VMEM((8, CHUNK, DIM), jnp.float32),
        pltpu.VMEM((2, CHUNK, DIM), jnp.float32),
        pltpu.SemaphoreType.DMA((8,)),
        pltpu.SemaphoreType.DMA((8,)),
        pltpu.SemaphoreType.DMA((2,)),
    ],
)
def _sc_add(in_hbm, emb_hbm, out_hbm, io_v, emb_v, isems, osems, esems):
    wid = lax.axis_index("s") * NC + lax.axis_index("c")
    rbase = TC_ROWS + wid * ROWS_PER_W
    obase = wid * ROWS_PER_W

    def issue_emb(k, slot):
        pltpu.async_copy(
            emb_hbm.at[pl.ds(rbase + k * CHUNK, CHUNK)],
            emb_v.at[slot],
            esems.at[slot],
        )

    def issue_in(k, b, slot):
        pltpu.async_copy(
            in_hbm.at[b, pl.ds(rbase + k * CHUNK, CHUNK)],
            io_v.at[slot],
            isems.at[slot],
        )

    def issue_out(k, b, slot):
        pltpu.async_copy(
            io_v.at[slot],
            out_hbm.at[b, pl.ds(obase + k * CHUNK, CHUNK)],
            osems.at[slot],
        )

    def wait_in(slot):
        pltpu.make_async_copy(
            in_hbm.at[0, pl.ds(0, CHUNK)], io_v.at[slot], isems.at[slot]
        ).wait()

    def wait_out(slot):
        pltpu.make_async_copy(
            io_v.at[slot], out_hbm.at[0, pl.ds(0, CHUNK)], osems.at[slot]
        ).wait()

    def wait_emb(slot):
        pltpu.make_async_copy(
            emb_hbm.at[pl.ds(0, CHUNK)], emb_v.at[slot], esems.at[slot]
        ).wait()

    issue_emb(0, 0)
    for b in range(BATCH):
        issue_in(0, b, b)

    def step(k, cur, nxt):
        ecur = cur // 4
        enxt = nxt // 4
        wait_emb(ecur)

        @pl.when(k + 1 < NCHUNK)
        def _():
            issue_emb(k + 1, enxt)

        for b in range(BATCH):
            wait_in(cur + b)

            @pl.when(k >= 1)
            def _():
                wait_out(nxt + b)

            @pl.when(k + 1 < NCHUNK)
            def _():
                issue_in(k + 1, b, nxt + b)

            issue_out(k, b, cur + b)

    def two_steps(kk, _):
        step(2 * kk, 0, 4)
        step(2 * kk + 1, 4, 0)
        return 0

    lax.fori_loop(0, NCHUNK // 2, two_steps, 0, unroll=False)

    for b in range(BATCH):
        wait_out(4 + b)


def _tc_body(in_ref, emb_ref, out_ref):
    out_ref[0] = in_ref[0] + emb_ref[...]


def _tc_add(inputs, embeddings):
    grid = (TC_ROWS // TC_BLOCK, BATCH)
    return pl.pallas_call(
        _tc_body,
        grid=grid,
        in_specs=[
            pl.BlockSpec((1, TC_BLOCK, DIM), lambda s, b: (b, s, 0)),
            pl.BlockSpec((TC_BLOCK, DIM), lambda s, b: (s, 0)),
        ],
        out_specs=pl.BlockSpec((1, TC_BLOCK, DIM), lambda s, b: (b, s, 0)),
        out_shape=jax.ShapeDtypeStruct((BATCH, TC_ROWS, DIM), inputs.dtype),
    )(inputs, embeddings)


def kernel(inputs, embeddings):
    seq_len = inputs.shape[1]
    pos = embeddings[:seq_len]
    return _sc_add(inputs, pos)

# --- scband reference (transcript-rebuilt; emitter-appended) ---
"""Pipeline reference for scband-position-embedding-19885698580863 (READ-ONLY COPY).

The authoritative reference and input builder live on the scoring server;
editing this copy changes nothing except your own understanding.
"""

import jax, jax.numpy as jnp
import numpy as np

INPUT_DIM = 8192
OUTPUT_DIM = 1024
BATCH = 4
SEQ_LEN = 8192

def setup_inputs(seed: int = 0) -> dict:
    key = jax.random.key(seed)
    k1, k2 = jax.random.split(key)
    inputs = jax.random.normal(k1, (BATCH, SEQ_LEN, OUTPUT_DIM), dtype=jnp.float32)
    # learned position embedding table (original initializer is 'zeros', but we
    # materialize a non-trivial table so the op is observable)
    embeddings = jax.random.normal(k2, (INPUT_DIM, OUTPUT_DIM), dtype=jnp.float32) * 0.02
    return {"inputs": inputs, "embeddings": embeddings}

def reference(inputs, embeddings):
    seq_len = inputs.shape[1]
    pos_embeddings = embeddings[:seq_len]
    pos_embeddings = jnp.expand_dims(pos_embeddings, 0)
    return inputs + pos_embeddings

if __name__ == "__main__":
    import jax
    _d = setup_inputs()
    print(jax.jit(kernel)(*tuple(_d.values())))

</pallas_src>

<mosaic_0001>
#map = affine_map<(d0, d1) -> (0, 0, 0)>
#map1 = affine_map<(d0, d1) -> (0, 0)>
module attributes {stable_mosaic.version = 14 : i64} {
  func.func @_sc_add(%arg0: i32, %arg1: i32, %arg2: memref<4x8192x1024xf32, #tpu.memory_space<hbm>>, %arg3: memref<8192x1024xf32, #tpu.memory_space<hbm>>, %arg4: memref<4x8192x1024xf32, #tpu.memory_space<hbm>>, %arg5: memref<8x8x1024xf32, #tpu.memory_space<vmem>>, %arg6: memref<2x8x1024xf32, #tpu.memory_space<vmem>>, %arg7: memref<8x!tpu.dma_semaphore, #tpu.memory_space<semaphore_mem>>, %arg8: memref<8x!tpu.dma_semaphore, #tpu.memory_space<semaphore_mem>>, %arg9: memref<2x!tpu.dma_semaphore, #tpu.memory_space<semaphore_mem>>) attributes {dimension_semantics = [#tpu.dimension_semantics<core_parallel>, #tpu.dimension_semantics<subcore_parallel>], iteration_bounds = array<i64: 2, 16>, scalar_prefetch = 0 : i64, scratch_operands = 5 : i64, tpu.core_type = #tpu.core_type<sc_vector_subcore>, window_params = [{transform_indices = #map}, {transform_indices = #map1}, {transform_indices = #map}]} {
    %mul3A = arith.constant 2 : i32
    %mul3A_0 = arith.muli %arg1, %mul3A : i32
    %add3A = arith.addi %mul3A_0, %arg0 : i32
    %mul3A_1 = arith.constant 256 : i32
    %mul3A_2 = arith.muli %add3A, %mul3A_1 : i32
    %add3A_3 = arith.constant 0 : i32
    %add3A_4 = arith.addi %add3A_3, %mul3A_2 : i32
    %mul3A_5 = arith.constant 256 : i32
    %mul3A_6 = arith.muli %add3A, %mul3A_5 : i32
    %add3A_7 = arith.constant 0 : i32
    %add3A_8 = arith.addi %add3A_4, %add3A_7 : i32
    %dma_start3A = arith.constant 0 : i32
    %dma_start3A_9 = arith.constant 0 : i32
    %dma_start3A_10 = arith.constant 0 : i32
    %dma_start3A_11 = arith.constant 0 : i32
    %dma_start3A_12 = tpu.memref_slice %arg6[%dma_start3A, %dma_start3A_10, %dma_start3A_11] : memref<2x8x1024xf32, #tpu.memory_space<vmem>> -> memref<1x8x1024xf32, #tpu.memory_space<vmem>>
    %dma_start3A_13 = tpu.memref_squeeze %dma_start3A_12 : memref<1x8x1024xf32, #tpu.memory_space<vmem>> -> memref<8x1024xf32, #tpu.memory_space<vmem>>
    %dma_start3A_14 = arith.constant 0 : i32
    %dma_start3A_15 = tpu.memref_slice %arg3[%add3A_8, %dma_start3A_14] : memref<8192x1024xf32, #tpu.memory_space<hbm>> -> memref<8x1024xf32, #tpu.memory_space<hbm>>
    %dma_start3A_16 = tpu.memref_slice %arg9[%dma_start3A_9] : memref<2x!tpu.dma_semaphore, #tpu.memory_space<semaphore_mem>> -> memref<1x!tpu.dma_semaphore, #tpu.memory_space<semaphore_mem>>
    %dma_start3A_17 = tpu.memref_squeeze %dma_start3A_16 : memref<1x!tpu.dma_semaphore, #tpu.memory_space<semaphore_mem>> -> memref<!tpu.dma_semaphore, #tpu.memory_space<semaphore_mem>>
    %dma_start3A_18 = arith.constant 0 : i32
    %dma_start3A_19 = arith.constant 0 : i32
    %dma_start3A_20 = tpu.memref_slice %arg6[%dma_start3A, %dma_start3A_18, %dma_start3A_19] : memref<2x8x1024xf32, #tpu.memory_space<vmem>> -> memref<1x8x1024xf32, #tpu.memory_space<vmem>>
    %dma_start3A_21 = tpu.memref_squeeze %dma_start3A_20 : memref<1x8x1024xf32, #tpu.memory_space<vmem>> -> memref<8x1024xf32, #tpu.memory_space<vmem>>
    %dma_start3A_22 = arith.constant 0 : i32
    %dma_start3A_23 = tpu.memref_slice %arg3[%add3A_8, %dma_start3A_22] : memref<8192x1024xf32, #tpu.memory_space<hbm>> -> memref<8x1024xf32, #tpu.memory_space<hbm>>
    tpu.enqueue_dma source(%dma_start3A_23 : memref<8x1024xf32, #tpu.memory_space<hbm>>) target(%dma_start3A_21 : memref<8x1024xf32, #tpu.memory_space<vmem>>) target_semaphore(%dma_start3A_17 : memref<!tpu.dma_semaphore, #tpu.memory_space<semaphore_mem>>)
    %add3A_24 = arith.constant 0 : i32
    %add3A_25 = arith.addi %add3A_4, %add3A_24 : i32
    %dma_start3A_26 = arith.constant 0 : i32
    %dma_start3A_27 = arith.constant 0 : i32
    %dma_start3A_28 = arith.constant 0 : i32
    %dma_start3A_29 = arith.constant 0 : i32
    %dma_start3A_30 = arith.constant 0 : i32
    %dma_start3A_31 = tpu.memref_slice %arg5[%dma_start3A_27, %dma_start3A_29, %dma_start3A_30] : memref<8x8x1024xf32, #tpu.memory_space<vmem>> -> memref<1x8x1024xf32, #tpu.memory_space<vmem>>
    %dma_start3A_32 = tpu.memref_squeeze %dma_start3A_31 : memref<1x8x1024xf32, #tpu.memory_space<vmem>> -> memref<8x1024xf32, #tpu.memory_space<vmem>>
    %dma_start3A_33 = arith.constant 0 : i32
    %dma_start3A_34 = tpu.memref_slice %arg2[%dma_start3A_26, %add3A_25, %dma_start3A_33] : memref<4x8192x1024xf32, #tpu.memory_space<hbm>> -> memref<1x8x1024xf32, #tpu.memory_space<hbm>>
    %dma_start3A_35 = tpu.memref_squeeze %dma_start3A_34 : memref<1x8x1024xf32, #tpu.memory_space<hbm>> -> memref<8x1024xf32, #tpu.memory_space<hbm>>
    %dma_start3A_36 = tpu.memref_slice %arg7[%dma_start3A_28] : memref<8x!tpu.dma_semaphore, #tpu.memory_space<semaphore_mem>> -> memref<1x!tpu.dma_semaphore, #tpu.memory_space<semaphore_mem>>
    %dma_start3A_37 = tpu.memref_squeeze %dma_start3A_36 : memref<1x!tpu.dma_semaphore, #tpu.memory_space<semaphore_mem>> -> memref<!tpu.dma_semaphore, #tpu.memory_space<semaphore_mem>>
    %dma_start3A_38 = arith.constant 0 : i32
    %dma_start3A_39 = arith.constant 0 : i32
    %dma_start3A_40 = tpu.memref_slice %arg5[%dma_start3A_27, %dma_start3A_38, %dma_start3A_39] : memref<8x8x1024xf32, #tpu.memory_space<vmem>> -> memref<1x8x1024xf32, #tpu.memory_space<vmem>>
    %dma_start3A_41 = tpu.memref_squeeze %dma_start3A_40 : memref<1x8x1024xf32, #tpu.memory_space<vmem>> -> memref<8x1024xf32, #tpu.memory_space<vmem>>
    %dma_start3A_42 = arith.constant 0 : i32
    %dma_start3A_43 = tpu.memref_slice %arg2[%dma_start3A_26, %add3A_25, %dma_start3A_42] : memref<4x8192x1024xf32, #tpu.memory_space<hbm>> -> memref<1x8x1024xf32, #tpu.memory_space<hbm>>
    %dma_start3A_44 = tpu.memref_squeeze %dma_start3A_43 : memref<1x8x1024xf32, #tpu.memory_space<hbm>> -> memref<8x1024xf32, #tpu.memory_space<hbm>>
    tpu.enqueue_dma source(%dma_start3A_44 : memref<8x1024xf32, #tpu.memory_space<hbm>>) target(%dma_start3A_41 : memref<8x1024xf32, #tpu.memory_space<vmem>>) target_semaphore(%dma_start3A_37 : memref<!tpu.dma_semaphore, #tpu.memory_space<semaphore_mem>>)
    %add3A_45 = arith.constant 0 : i32
    %add3A_46 = arith.addi %add3A_4, %add3A_45 : i32
    %dma_start3A_47 = arith.constant 1 : i32
    %dma_start3A_48 = arith.constant 1 : i32
    %dma_start3A_49 = arith.constant 1 : i32
    %dma_start3A_50 = arith.constant 0 : i32
    %dma_start3A_51 = arith.constant 0 : i32
    %dma_start3A_52 = tpu.memref_slice %arg5[%dma_start3A_48, %dma_start3A_50, %dma_start3A_51] : memref<8x8x1024xf32, #tpu.memory_space<vmem>> -> memref<1x8x1024xf32, #tpu.memory_space<vmem>>
    %dma_start3A_53 = tpu.memref_squeeze %dma_start3A_52 : memref<1x8x1024xf32, #tpu.memory_space<vmem>> -> memref<8x1024xf32, #tpu.memory_space<vmem>>
    %dma_start3A_54 = arith.constant 0 : i32
    %dma_start3A_55 = tpu.memref_slice %arg2[%dma_start3A_47, %add3A_46, %dma_start3A_54] : memref<4x8192x1024xf32, #tpu.memory_space<hbm>> -> memref<1x8x1024xf32, #tpu.memory_space<hbm>>
    %dma_start3A_56 = tpu.memref_squeeze %dma_start3A_55 : memref<1x8x1024xf32, #tpu.memory_space<hbm>> -> memref<8x1024xf32, #tpu.memory_space<hbm>>
    %dma_start3A_57 = tpu.memref_slice %arg7[%dma_start3A_49] : memref<8x!tpu.dma_semaphore, #tpu.memory_space<semaphore_mem>> -> memref<1x!tpu.dma_semaphore, #tpu.memory_space<semaphore_mem>>
    %dma_start3A_58 = tpu.memref_squeeze %dma_start3A_57 : memref<1x!tpu.dma_semaphore, #tpu.memory_space<semaphore_mem>> -> memref<!tpu.dma_semaphore, #tpu.memory_space<semaphore_mem>>
    %dma_start3A_59 = arith.constant 0 : i32
    %dma_start3A_60 = arith.constant 0 : i32
    %dma_start3A_61 = tpu.memref_slice %arg5[%dma_start3A_48, %dma_start3A_59, %dma_start3A_60] : memref<8x8x1024xf32, #tpu.memory_space<vmem>> -> memref<1x8x1024xf32, #tpu.memory_space<vmem>>
    %dma_start3A_62 = tpu.memref_squeeze %dma_start3A_61 : memref<1x8x1024xf32, #tpu.memory_space<vmem>> -> memref<8x1024xf32, #tpu.memory_space<vmem>>
    %dma_start3A_63 = arith.constant 0 : i32
    %dma_start3A_64 = tpu.memref_slice %arg2[%dma_start3A_47, %add3A_46, %dma_start3A_63] : memref<4x8192x1024xf32, #tpu.memory_space<hbm>> -> memref<1x8x1024xf32, #tpu.memory_space<hbm>>
    %dma_start3A_65 = tpu.memref_squeeze %dma_start3A_64 : memref<1x8x1024xf32, #tpu.memory_space<hbm>> -> memref<8x1024xf32, #tpu.memory_space<hbm>>
    tpu.enqueue_dma source(%dma_start3A_65 : memref<8x1024xf32, #tpu.memory_space<hbm>>) target(%dma_start3A_62 : memref<8x1024xf32, #tpu.memory_space<vmem>>) target_semaphore(%dma_start3A_58 : memref<!tpu.dma_semaphore, #tpu.memory_space<semaphore_mem>>)
    %add3A_66 = arith.constant 0 : i32
    %add3A_67 = arith.addi %add3A_4, %add3A_66 : i32
    %dma_start3A_68 = arith.constant 2 : i32
    %dma_start3A_69 = arith.constant 2 : i32
    %dma_start3A_70 = arith.constant 2 : i32
    %dma_start3A_71 = arith.constant 0 : i32
    %dma_start3A_72 = arith.constant 0 : i32
    %dma_start3A_73 = tpu.memref_slice %arg5[%dma_start3A_69, %dma_start3A_71, %dma_start3A_72] : memref<8x8x1024xf32, #tpu.memory_space<vmem>> -> memref<1x8x1024xf32, #tpu.memory_space<vmem>>
    %dma_start3A_74 = tpu.memref_squeeze %dma_start3A_73 : memref<1x8x1024xf32, #tpu.memory_space<vmem>> -> memref<8x1024xf32, #tpu.memory_space<vmem>>
    %dma_start3A_75 = arith.constant 0 : i32
    %dma_start3A_76 = tpu.memref_slice %arg2[%dma_start3A_68, %add3A_67, %dma_start3A_75] : memref<4x8192x1024xf32, #tpu.memory_space<hbm>> -> memref<1x8x1024xf32, #tpu.memory_space<hbm>>
    %dma_start3A_77 = tpu.memref_squeeze %dma_start3A_76 : memref<1x8x1024xf32, #tpu.memory_space<hbm>> -> memref<8x1024xf32, #tpu.memory_space<hbm>>
    %dma_start3A_78 = tpu.memref_slice %arg7[%dma_start3A_70] : memref<8x!tpu.dma_semaphore, #tpu.memory_space<semaphore_mem>> -> memref<1x!tpu.dma_semaphore, #tpu.memory_space<semaphore_mem>>
    %dma_start3A_79 = tpu.memref_squeeze %dma_start3A_78 : memref<1x!tpu.dma_semaphore, #tpu.memory_space<semaphore_mem>> -> memref<!tpu.dma_semaphore, #tpu.memory_space<semaphore_mem>>
    %dma_start3A_80 = arith.constant 0 : i32
    %dma_start3A_81 = arith.constant 0 : i32
    %dma_start3A_82 = tpu.memref_slice %arg5[%dma_start3A_69, %dma_start3A_80, %dma_start3A_81] : memref<8x8x1024xf32, #tpu.memory_space<vmem>> -> memref<1x8x1024xf32, #tpu.memory_space<vmem>>
    %dma_start3A_83 = tpu.memref_squeeze %dma_start3A_82 : memref<1x8x1024xf32, #tpu.memory_space<vmem>> -> memref<8x1024xf32, #tpu.memory_space<vmem>>
    %dma_start3A_84 = arith.constant 0 : i32
    %dma_start3A_85 = tpu.memref_slice %arg2[%dma_start3A_68, %add3A_67, %dma_start3A_84] : memref<4x8192x1024xf32, #tpu.memory_space<hbm>> -> memref<1x8x1024xf32, #tpu.memory_space<hbm>>
    %dma_start3A_86 = tpu.memref_squeeze %dma_start3A_85 : memref<1x8x1024xf32, #tpu.memory_space<hbm>> -> memref<8x1024xf32, #tpu.memory_space<hbm>>
    tpu.enqueue_dma source(%dma_start3A_86 : memref<8x1024xf32, #tpu.memory_space<hbm>>) target(%dma_start3A_83 : memref<8x1024xf32, #tpu.memory_space<vmem>>) target_semaphore(%dma_start3A_79 : memref<!tpu.dma_semaphore, #tpu.memory_space<semaphore_mem>>)
    %add3A_87 = arith.constant 0 : i32
    %add3A_88 = arith.addi %add3A_4, %add3A_87 : i32
    %dma_start3A_89 = arith.constant 3 : i32
    %dma_start3A_90 = arith.constant 3 : i32
    %dma_start3A_91 = arith.constant 3 : i32
    %dma_start3A_92 = arith.constant 0 : i32
    %dma_start3A_93 = arith.constant 0 : i32
    %dma_start3A_94 = tpu.memref_slice %arg5[%dma_start3A_90, %dma_start3A_92, %dma_start3A_93] : memref<8x8x1024xf32, #tpu.memory_space<vmem>> -> memref<1x8x1024xf32, #tpu.memory_space<vmem>>
    %dma_start3A_95 = tpu.memref_squeeze %dma_start3A_94 : memref<1x8x1024xf32, #tpu.memory_space<vmem>> -> memref<8x1024xf32, #tpu.memory_space<vmem>>
    %dma_start3A_96 = arith.constant 0 : i32
    %dma_start3A_97 = tpu.memref_slice %arg2[%dma_start3A_89, %add3A_88, %dma_start3A_96] : memref<4x8192x1024xf32, #tpu.memory_space<hbm>> -> memref<1x8x1024xf32, #tpu.memory_space<hbm>>
    %dma_start3A_98 = tpu.memref_squeeze %dma_start3A_97 : memref<1x8x1024xf32, #tpu.memory_space<hbm>> -> memref<8x1024xf32, #tpu.memory_space<hbm>>
    %dma_start3A_99 = tpu.memref_slice %arg7[%dma_start3A_91] : memref<8x!tpu.dma_semaphore, #tpu.memory_space<semaphore_mem>> -> memref<1x!tpu.dma_semaphore, #tpu.memory_space<semaphore_mem>>
    %dma_start3A_100 = tpu.memref_squeeze %dma_start3A_99 : memref<1x!tpu.dma_semaphore, #tpu.memory_space<semaphore_mem>> -> memref<!tpu.dma_semaphore, #tpu.memory_space<semaphore_mem>>
    %dma_start3A_101 = arith.constant 0 : i32
    %dma_start3A_102 = arith.constant 0 : i32
    %dma_start3A_103 = tpu.memref_slice %arg5[%dma_start3A_90, %dma_start3A_101, %dma_start3A_102] : memref<8x8x1024xf32, #tpu.memory_space<vmem>> -> memref<1x8x1024xf32, #tpu.memory_space<vmem>>
    %dma_start3A_104 = tpu.memref_squeeze %dma_start3A_103 : memref<1x8x1024xf32, #tpu.memory_space<vmem>> -> memref<8x1024xf32, #tpu.memory_space<vmem>>
    %dma_start3A_105 = arith.constant 0 : i32
    %dma_start3A_106 = tpu.memref_slice %arg2[%dma_start3A_89, %add3A_88, %dma_start3A_105] : memref<4x8192x1024xf32, #tpu.memory_space<hbm>> -> memref<1x8x1024xf32, #tpu.memory_space<hbm>>
    %dma_start3A_107 = tpu.memref_squeeze %dma_start3A_106 : memref<1x8x1024xf32, #tpu.memory_space<hbm>> -> memref<8x1024xf32, #tpu.memory_space<hbm>>
    tpu.enqueue_dma source(%dma_start3A_107 : memref<8x1024xf32, #tpu.memory_space<hbm>>) target(%dma_start3A_104 : memref<8x1024xf32, #tpu.memory_space<vmem>>) target_semaphore(%dma_start3A_100 : memref<!tpu.dma_semaphore, #tpu.memory_space<semaphore_mem>>)
    %scan3A = arith.constant 0 : i32
    %scan3A_108 = arith.constant 0 : i32
    %scan3A_109 = arith.constant 16 : i32
    %scan3A_110 = arith.addi %scan3A_108, %scan3A_109 : i32
    %scan3A_111 = arith.constant 1 : i32
    %scan3A_112 = scf.for %scan3A_197 = %scan3A_108 to %scan3A_110 step %scan3A_111 iter_args(%scan3A_198 = %scan3A) -> (i32)  : i32 {
      %mul3A_199 = arith.constant 2 : i32
      %mul3A_200 = arith.muli %mul3A_199, %scan3A_197 : i32
      %dma_wait3A_201 = arith.constant 0 : i32
      %dma_wait3A_202 = arith.constant 0 : i32
      %dma_wait3A_203 = arith.constant 0 : i32
      %dma_wait3A_204 = arith.constant 0 : i32
      %dma_wait3A_205 = tpu.memref_slice %arg6[%dma_wait3A_201, %dma_wait3A_203, %dma_wait3A_204] : memref<2x8x1024xf32, #tpu.memory_space<vmem>> -> memref<1x8x1024xf32, #tpu.memory_space<vmem>>
      %dma_wait3A_206 = tpu.memref_squeeze %dma_wait3A_205 : memref<1x8x1024xf32, #tpu.memory_space<vmem>> -> memref<8x1024xf32, #tpu.memory_space<vmem>>
      %dma_wait3A_207 = arith.constant 0 : i32
      %dma_wait3A_208 = arith.constant 0 : i32
      %dma_wait3A_209 = tpu.memref_slice %arg3[%dma_wait3A_207, %dma_wait3A_208] : memref<8192x1024xf32, #tpu.memory_space<hbm>> -> memref<8x1024xf32, #tpu.memory_space<hbm>>
      %dma_wait3A_210 = tpu.memref_slice %arg9[%dma_wait3A_202] : memref<2x!tpu.dma_semaphore, #tpu.memory_space<semaphore_mem>> -> memref<1x!tpu.dma_semaphore, #tpu.memory_space<semaphore_mem>>
      %dma_wait3A_211 = tpu.memref_squeeze %dma_wait3A_210 : memref<1x!tpu.dma_semaphore, #tpu.memory_space<semaphore_mem>> -> memref<!tpu.dma_semaphore, #tpu.memory_space<semaphore_mem>>
      %dma_wait3A_212 = arith.constant 0 : i32
      %dma_wait3A_213 = arith.constant 0 : i32
      %dma_wait3A_214 = tpu.memref_slice %arg6[%dma_wait3A_201, %dma_wait3A_212, %dma_wait3A_213] : memref<2x8x1024xf32, #tpu.memory_space<vmem>> -> memref<1x8x1024xf32, #tpu.memory_space<vmem>>
      %dma_wait3A_215 = tpu.memref_squeeze %dma_wait3A_214 : memref<1x8x1024xf32, #tpu.memory_space<vmem>> -> memref<8x1024xf32, #tpu.memory_space<vmem>>
      %dma_wait3A_216 = arith.constant 0 : i32
      %dma_wait3A_217 = arith.constant 0 : i32
      %dma_wait3A_218 = tpu.memref_slice %arg3[%dma_wait3A_216, %dma_wait3A_217] : memref<8192x1024xf32, #tpu.memory_space<hbm>> -> memref<8x1024xf32, #tpu.memory_space<hbm>>
      tpu.wait_dma2 semaphore(%dma_wait3A_211 : memref<!tpu.dma_semaphore, #tpu.memory_space<semaphore_mem>>) src(%dma_wait3A_218 : memref<8x1024xf32, #tpu.memory_space<hbm>>) dst(%dma_wait3A_215 : memref<8x1024xf32, #tpu.memory_space<vmem>>)
      %add3A_219 = arith.constant 1 : i32
      %add3A_220 = arith.addi %mul3A_200, %add3A_219 : i32
      %lt3A = arith.constant 32 : i32
      %lt3A_221 = arith.cmpi slt, %add3A_220, %lt3A : i32
      %convert_element_type3A = arith.extui %lt3A_221 : i1 to i32
      %cond3A = arith.constant 0 : i32
      %cond3A_222 = arith.cmpi ne, %convert_element_type3A, %cond3A : i32
      scf.if %cond3A_222 {
        %add3A_692 = arith.constant 1 : i32
        %add3A_693 = arith.addi %mul3A_200, %add3A_692 : i32
        %mul3A_694 = arith.constant 8 : i32
        %mul3A_695 = arith.muli %add3A_693, %mul3A_694 : i32
        %add3A_696 = arith.addi %add3A_4, %mul3A_695 : i32
        %dma_start3A_697 = arith.constant 1 : i32
        %dma_start3A_698 = arith.constant 1 : i32
        %dma_start3A_699 = arith.constant 0 : i32
        %dma_start3A_700 = arith.constant 0 : i32
        %dma_start3A_701 = tpu.memref_slice %arg6[%dma_start3A_697, %dma_start3A_699, %dma_start3A_700] : memref<2x8x1024xf32, #tpu.memory_space<vmem>> -> memref<1x8x1024xf32, #tpu.memory_space<vmem>>
        %dma_start3A_702 = tpu.memref_squeeze %dma_start3A_701 : memref<1x8x1024xf32, #tpu.memory_space<vmem>> -> memref<8x1024xf32, #tpu.memory_space<vmem>>
        %dma_start3A_703 = arith.constant 0 : i32
        %dma_start3A_704 = tpu.memref_slice %arg3[%add3A_696, %dma_start3A_703] : memref<8192x1024xf32, #tpu.memory_space<hbm>> -> memref<8x1024xf32, #tpu.memory_space<hbm>>
        %dma_start3A_705 = tpu.memref_slice %arg9[%dma_start3A_698] : memref<2x!tpu.dma_semaphore, #tpu.memory_space<semaphore_mem>> -> memref<1x!tpu.dma_semaphore, #tpu.memory_space<semaphore_mem>>
        %dma_start3A_706 = tpu.memref_squeeze %dma_start3A_705 : memref<1x!tpu.dma_semaphore, #tpu.memory_space<semaphore_mem>> -> memref<!tpu.dma_semaphore, #tpu.memory_space<semaphore_mem>>
        %dma_start3A_707 = arith.constant 0 : i32
        %dma_start3A_708 = arith.constant 0 : i32
        %dma_start3A_709 = tpu.memref_slice %arg6[%dma_start3A_697, %dma_start3A_707, %dma_start3A_708] : memref<2x8x1024xf32, #tpu.memory_space<vmem>> -> memref<1x8x1024xf32, #tpu.memory_space<vmem>>
        %dma_start3A_710 = tpu.memref_squeeze %dma_start3A_709 : memref<1x8x1024xf32, #tpu.memory_space<vmem>> -> memref<8x1024xf32, #tpu.memory_space<vmem>>
        %dma_start3A_711 = arith.constant 0 : i32
        %dma_start3A_712 = tpu.memref_slice %arg3[%add3A_696, %dma_start3A_711] : memref<8192x1024xf32, #tpu.memory_space<hbm>> -> memref<8x1024xf32, #tpu.memory_space<hbm>>
        tpu.enqueue_dma source(%dma_start3A_712 : memref<8x1024xf32, #tpu.memory_space<hbm>>) target(%dma_start3A_710 : memref<8x1024xf32, #tpu.memory_space<vmem>>) target_semaphore(%dma_start3A_706 : memref<!tpu.dma_semaphore, #tpu.memory_space<semaphore_mem>>)
      } else {
      }
      %dma_wait3A_223 = arith.constant 0 : i32
      %dma_wait3A_224 = arith.constant 0 : i32
      %dma_wait3A_225 = arith.constant 0 : i32
      %dma_wait3A_226 = arith.constant 0 : i32
      %dma_wait3A_227 = arith.constant 0 : i32
      %dma_wait3A_228 = tpu.memref_slice %arg5[%dma_wait3A_224, %dma_wait3A_226, %dma_wait3A_227] : memref<8x8x1024xf32, #tpu.memory_space<vmem>> -> memref<1x8x1024xf32, #tpu.memory_space<vmem>>
      %dma_wait3A_229 = tpu.memref_squeeze %dma_wait3A_228 : memref<1x8x1024xf32, #tpu.memory_space<vmem>> -> memref<8x1024xf32, #tpu.memory_space<vmem>>
      %dma_wait3A_230 = arith.constant 0 : i32
      %dma_wait3A_231 = arith.constant 0 : i32
      %dma_wait3A_232 = tpu.memref_slice %arg2[%dma_wait3A_223, %dma_wait3A_230, %dma_wait3A_231] : memref<4x8192x1024xf32, #tpu.memory_space<hbm>> -> memref<1x8x1024xf32, #tpu.memory_space<hbm>>
      %dma_wait3A_233 = tpu.memref_squeeze %dma_wait3A_232 : memref<1x8x1024xf32, #tpu.memory_space<hbm>> -> memref<8x1024xf32, #tpu.memory_space<hbm>>
      %dma_wait3A_234 = tpu.memref_slice %arg7[%dma_wait3A_225] : memref<8x!tpu.dma_semaphore, #tpu.memory_space<semaphore_mem>> -> memref<1x!tpu.dma_semaphore, #tpu.memory_space<semaphore_mem>>
      %dma_wait3A_235 = tpu.memref_squeeze %dma_wait3A_234 : memref<1x!tpu.dma_semaphore, #tpu.memory_space<semaphore_mem>> -> memref<!tpu.dma_semaphore, #tpu.memory_space<semaphore_mem>>
      %dma_wait3A_236 = arith.constant 0 : i32
      %dma_wait3A_237 = arith.constant 0 : i32
      %dma_wait3A_238 = tpu.memref_slice %arg5[%dma_wait3A_224, %dma_wait3A_236, %dma_wait3A_237] : memref<8x8x1024xf32, #tpu.memory_space<vmem>> -> memref<1x8x1024xf32, #tpu.memory_space<vmem>>
      %dma_wait3A_239 = tpu.memref_squeeze %dma_wait3A_238 : memref<1x8x1024xf32, #tpu.memory_space<vmem>> -> memref<8x1024xf32, #tpu.memory_space<vmem>>
      %dma_wait3A_240 = arith.constant 0 : i32
      %dma_wait3A_241 = arith.constant 0 : i32
      %dma_wait3A_242 = tpu.memref_slice %arg2[%dma_wait3A_223, %dma_wait3A_240, %dma_wait3A_241] : memref<4x8192x1024xf32, #tpu.memory_space<hbm>> -> memref<1x8x1024xf32, #tpu.memory_space<hbm>>
      %dma_wait3A_243 = tpu.memref_squeeze %dma_wait3A_242 : memref<1x8x1024xf32, #tpu.memory_space<hbm>> -> memref<8x1024xf32, #tpu.memory_space<hbm>>
      tpu.wait_dma2 semaphore(%dma_wait3A_235 : memref<!tpu.dma_semaphore, #tpu.memory_space<semaphore_mem>>) src(%dma_wait3A_243 : memref<8x1024xf32, #tpu.memory_space<hbm>>) dst(%dma_wait3A_239 : memref<8x1024xf32, #tpu.memory_space<vmem>>)
      %ge3A = arith.constant 1 : i32
      %ge3A_244 = arith.cmpi sge, %mul3A_200, %ge3A : i32
      %convert_element_type3A_245 = arith.extui %ge3A_244 : i1 to i32
      %cond3A_246 = arith.constant 0 : i32
      %cond3A_247 = arith.cmpi ne, %convert_element_type3A_245, %cond3A_246 : i32
      scf.if %cond3A_247 {
        %dma_wait3A_692 = arith.constant 4 : i32
        %dma_wait3A_693 = arith.constant 0 : i32
        %dma_wait3A_694 = arith.constant 4 : i32
        %dma_wait3A_695 = arith.constant 0 : i32
        %dma_wait3A_696 = arith.constant 0 : i32
        %dma_wait3A_697 = tpu.memref_slice %arg5[%dma_wait3A_692, %dma_wait3A_695, %dma_wait3A_696] : memref<8x8x1024xf32, #tpu.memory_space<vmem>> -> memref<1x8x1024xf32, #tpu.memory_space<vmem>>
        %dma_wait3A_698 = tpu.memref_squeeze %dma_wait3A_697 : memref<1x8x1024xf32, #tpu.memory_space<vmem>> -> memref<8x1024xf32, #tpu.memory_space<vmem>>
        %dma_wait3A_699 = arith.constant 0 : i32
        %dma_wait3A_700 = arith.constant 0 : i32
        %dma_wait3A_701 = tpu.memref_slice %arg4[%dma_wait3A_693, %dma_wait3A_699, %dma_wait3A_700] : memref<4x8192x1024xf32, #tpu.memory_space<hbm>> -> memref<1x8x1024xf32, #tpu.memory_space<hbm>>
        %dma_wait3A_702 = tpu.memref_squeeze %dma_wait3A_701 : memref<1x8x1024xf32, #tpu.memory_space<hbm>> -> memref<8x1024xf32, #tpu.memory_space<hbm>>
        %dma_wait3A_703 = tpu.memref_slice %arg8[%dma_wait3A_694] : memref<8x!tpu.dma_semaphore, #tpu.memory_space<semaphore_mem>> -> memref<1x!tpu.dma_semaphore, #tpu.memory_space<semaphore_mem>>
        %dma_wait3A_704 = tpu.memref_squeeze %dma_wait3A_703 : memref<1x!tpu.dma_semaphore, #tpu.memory_space<semaphore_mem>> -> memref<!tpu.dma_semaphore, #tpu.memory_space<semaphore_mem>>
        %dma_wait3A_705 = arith.constant 0 : i32
        %dma_wait3A_706 = arith.constant 0 : i32
        %dma_wait3A_707 = tpu.memref_slice %arg4[%dma_wait3A_693, %dma_wait3A_705, %dma_wait3A_706] : memref<4x8192x1024xf32, #tpu.memory_space<hbm>> -> memref<1x8x1024xf32, #tpu.memory_space<hbm>>
        %dma_wait3A_708 = tpu.memref_squeeze %dma_wait3A_707 : memref<1x8x1024xf32, #tpu.memory_space<hbm>> -> memref<8x1024xf32, #tpu.memory_space<hbm>>
        %dma_wait3A_709 = arith.constant 0 : i32
        %dma_wait3A_710 = arith.constant 0 : i32
        %dma_wait3A_711 = tpu.memref_slice %arg5[%dma_wait3A_692, %dma_wait3A_709, %dma_wait3A_710] : memref<8x8x1024xf32, #tpu.memory_space<vmem>> -> memref<1x8x1024xf32, #tpu.memory_space<vmem>>
        %dma_wait3A_712 = tpu.memref_squeeze %dma_wait3A_711 : memref<1x8x1024xf32, #tpu.memory_space<vmem>> -> memref<8x1024xf32, #tpu.memory_space<vmem>>
        tpu.wait_dma2 semaphore(%dma_wait3A_704 : memref<!tpu.dma_semaphore, #tpu.memory_space<semaphore_mem>>) src(%dma_wait3A_712 : memref<8x1024xf32, #tpu.memory_space<vmem>>) dst(%dma_wait3A_708 : memref<8x1024xf32, #tpu.memory_space<hbm>>)
      } else {
      }
      %add3A_248 = arith.constant 1 : i32
      %add3A_249 = arith.addi %mul3A_200, %add3A_248 : i32
      %lt3A_250 = arith.constant 32 : i32
      %lt3A_251 = arith.cmpi slt, %add3A_249, %lt3A_250 : i32
      %convert_element_type3A_252 = arith.extui %lt3A_251 : i1 to i32
      %cond3A_253 = arith.constant 0 : i32
      %cond3A_254 = arith.cmpi ne, %convert_element_type3A_252, %cond3A_253 : i32
      scf.if %cond3A_254 {
        %add3A_692 = arith.constant 1 : i32
        %add3A_693 = arith.addi %mul3A_200, %add3A_692 : i32
        %mul3A_694 = arith.constant 8 : i32
        %mul3A_695 = arith.muli %add3A_693, %mul3A_694 : i32
        %add3A_696 = arith.addi %add3A_4, %mul3A_695 : i32
        %dma_start3A_697 = arith.constant 0 : i32
        %dma_start3A_698 = arith.constant 4 : i32
        %dma_start3A_699 = arith.constant 4 : i32
        %dma_start3A_700 = arith.constant 0 : i32
        %dma_start3A_701 = arith.constant 0 : i32
        %dma_start3A_702 = tpu.memref_slice %arg5[%dma_start3A_698, %dma_start3A_700, %dma_start3A_701] : memref<8x8x1024xf32, #tpu.memory_space<vmem>> -> memref<1x8x1024xf32, #tpu.memory_space<vmem>>
        %dma_start3A_703 = tpu.memref_squeeze %dma_start3A_702 : memref<1x8x1024xf32, #tpu.memory_space<vmem>> -> memref<8x1024xf32, #tpu.memory_space<vmem>>
        %dma_start3A_704 = arith.constant 0 : i32
        %dma_start3A_705 = tpu.memref_slice %arg2[%dma_start3A_697, %add3A_696, %dma_start3A_704] : memref<4x8192x1024xf32, #tpu.memory_space<hbm>> -> memref<1x8x1024xf32, #tpu.memory_space<hbm>>
        %dma_start3A_706 = tpu.memref_squeeze %dma_start3A_705 : memref<1x8x1024xf32, #tpu.memory_space<hbm>> -> memref<8x1024xf32, #tpu.memory_space<hbm>>
        %dma_start3A_707 = tpu.memref_slice %arg7[%dma_start3A_699] : memref<8x!tpu.dma_semaphore, #tpu.memory_space<semaphore_mem>> -> memref<1x!tpu.dma_semaphore, #tpu.memory_space<semaphore_mem>>
        %dma_start3A_708 = tpu.memref_squeeze %dma_start3A_707 : memref<1x!tpu.dma_semaphore, #tpu.memory_space<semaphore_mem>> -> memref<!tpu.dma_semaphore, #tpu.memory_space<semaphore_mem>>
        %dma_start3A_709 = arith.constant 0 : i32
        %dma_start3A_710 = arith.constant 0 : i32
        %dma_start3A_711 = tpu.memref_slice %arg5[%dma_start3A_698, %dma_start3A_709, %dma_start3A_710] : memref<8x8x1024xf32, #tpu.memory_space<vmem>> -> memref<1x8x1024xf32, #tpu.memory_space<vmem>>
        %dma_start3A_712 = tpu.memref_squeeze %dma_start3A_711 : memref<1x8x1024xf32, #tpu.memory_space<vmem>> -> memref<8x1024xf32, #tpu.memory_space<vmem>>
        %dma_start3A_713 = arith.constant 0 : i32
        %dma_start3A_714 = tpu.memref_slice %arg2[%dma_start3A_697, %add3A_696, %dma_start3A_713] : memref<4x8192x1024xf32, #tpu.memory_space<hbm>> -> memref<1x8x1024xf32, #tpu.memory_space<hbm>>
        %dma_start3A_715 = tpu.memref_squeeze %dma_start3A_714 : memref<1x8x1024xf32, #tpu.memory_space<hbm>> -> memref<8x1024xf32, #tpu.memory_space<hbm>>
        tpu.enqueue_dma source(%dma_start3A_715 : memref<8x1024xf32, #tpu.memory_space<hbm>>) target(%dma_start3A_712 : memref<8x1024xf32, #tpu.memory_space<vmem>>) target_semaphore(%dma_start3A_708 : memref<!tpu.dma_semaphore, #tpu.memory_space<semaphore_mem>>)
      } else {
      }
      %mul3A_255 = arith.constant 8 : i32
      %mul3A_256 = arith.muli %mul3A_200, %mul3A_255 : i32
      %add3A_257 = arith.addi %mul3A_6, %mul3A_256 : i32
      %dma_start3A_258 = arith.constant 0 : i32
      %dma_start3A_259 = arith.constant 0 : i32
      %dma_start3A_260 = arith.constant 0 : i32
      %dma_start3A_261 = arith.constant 0 : i32
      %dma_start3A_262 = arith.constant 0 : i32
      %dma_start3A_263 = tpu.memref_slice %arg5[%dma_start3A_258, %dma_start3A_261, %dma_start3A_262] : memref<8x8x1024xf32, #tpu.memory_space<vmem>> -> memref<1x8x1024xf32, #tpu.memory_space<vmem>>
      %dma_start3A_264 = tpu.memref_squeeze %dma_start3A_263 : memref<1x8x1024xf32, #tpu.memory_space<vmem>> -> memref<8x1024xf32, #tpu.memory_space<vmem>>
      %dma_start3A_265 = arith.constant 0 : i32
      %dma_start3A_266 = tpu.memref_slice %arg4[%dma_start3A_259, %add3A_257, %dma_start3A_265] : memref<4x8192x1024xf32, #tpu.memory_space<hbm>> -> memref<1x8x1024xf32, #tpu.memory_space<hbm>>
      %dma_start3A_267 = tpu.memref_squeeze %dma_start3A_266 : memref<1x8x1024xf32, #tpu.memory_space<hbm>> -> memref<8x1024xf32, #tpu.memory_space<hbm>>
      %dma_start3A_268 = tpu.memref_slice %arg8[%dma_start3A_260] : memref<8x!tpu.dma_semaphore, #tpu.memory_space<semaphore_mem>> -> memref<1x!tpu.dma_semaphore, #tpu.memory_space<semaphore_mem>>
      %dma_start3A_269 = tpu.memref_squeeze %dma_start3A_268 : memref<1x!tpu.dma_semaphore, #tpu.memory_space<semaphore_mem>> -> memref<!tpu.dma_semaphore, #tpu.memory_space<semaphore_mem>>
      %dma_start3A_270 = arith.constant 0 : i32
      %dma_start3A_271 = tpu.memref_slice %arg4[%dma_start3A_259, %add3A_257, %dma_start3A_270] : memref<4x8192x1024xf32, #tpu.memory_space<hbm>> -> memref<1x8x1024xf32, #tpu.memory_space<hbm>>
      %dma_start3A_272 = tpu.memref_squeeze %dma_start3A_271 : memref<1x8x1024xf32, #tpu.memory_space<hbm>> -> memref<8x1024xf32, #tpu.memory_space<hbm>>
      %dma_start3A_273 = arith.constant 0 : i32
      %dma_start3A_274 = arith.constant 0 : i32
      %dma_start3A_275 = tpu.memref_slice %arg5[%dma_start3A_258, %dma_start3A_273, %dma_start3A_274] : memref<8x8x1024xf32, #tpu.memory_space<vmem>> -> memref<1x8x1024xf32, #tpu.memory_space<vmem>>
      %dma_start3A_276 = tpu.memref_squeeze %dma_start3A_275 : memref<1x8x1024xf32, #tpu.memory_space<vmem>> -> memref<8x1024xf32, #tpu.memory_space<vmem>>
      tpu.enqueue_dma source(%dma_start3A_276 : memref<8x1024xf32, #tpu.memory_space<vmem>>) target(%dma_start3A_272 : memref<8x1024xf32, #tpu.memory_space<hbm>>) target_semaphore(%dma_start3A_269 : memref<!tpu.dma_semaphore, #tpu.memory_space<semaphore_mem>>)
      %dma_wait3A_277 = arith.constant 0 : i32
      %dma_wait3A_278 = arith.constant 1 : i32
      %dma_wait3A_279 = arith.constant 1 : i32
      %dma_wait3A_280 = arith.constant 0 : i32
      %dma_wait3A_281 = arith.constant 0 : i32
      %dma_wait3A_282 = tpu.memref_slice %arg5[%dma_wait3A_278, %dma_wait3A_280, %dma_wait3A_281] : memref<8x8x1024xf32, #tpu.memory_space<vmem>> -> memref<1x8x1024xf32, #tpu.memory_space<vmem>>
      %dma_wait3A_283 = tpu.memref_squeeze %dma_wait3A_282 : memref<1x8x1024xf32, #tpu.memory_space<vmem>> -> memref<8x1024xf32, #tpu.memory_space<vmem>>
      %dma_wait3A_284 = arith.constant 0 : i32
      %dma_wait3A_285 = arith.constant 0 : i32
      %dma_wait3A_286 = tpu.memref_slice %arg2[%dma_wait3A_277, %dma_wait3A_284, %dma_wait3A_285] : memref<4x8192x1024xf32, #tpu.memory_space<hbm>> -> memref<1x8x1024xf32, #tpu.memory_space<hbm>>
      %dma_wait3A_287 = tpu.memref_squeeze %dma_wait3A_286 : memref<1x8x1024xf32, #tpu.memory_space<hbm>> -> memref<8x1024xf32, #tpu.memory_space<hbm>>
      %dma_wait3A_288 = tpu.memref_slice %arg7[%dma_wait3A_279] : memref<8x!tpu.dma_semaphore, #tpu.memory_space<semaphore_mem>> -> memref<1x!tpu.dma_semaphore, #tpu.memory_space<semaphore_mem>>
      %dma_wait3A_289 = tpu.memref_squeeze %dma_wait3A_288 : memref<1x!tpu.dma_semaphore, #tpu.memory_space<semaphore_mem>> -> memref<!tpu.dma_semaphore, #tpu.memory_space<semaphore_mem>>
      %dma_wait3A_290 = arith.constant 0 : i32
      %dma_wait3A_291 = arith.constant 0 : i32
      %dma_wait3A_292 = tpu.memref_slice %arg5[%dma_wait3A_278, %dma_wait3A_290, %dma_wait3A_291] : memref<8x8x1024xf32, #tpu.memory_space<vmem>> -> memref<1x8x1024xf32, #tpu.memory_space<vmem>>
      %dma_wait3A_293 = tpu.memref_squeeze %dma_wait3A_292 : memref<1x8x1024xf32, #tpu.memory_space<vmem>> -> memref<8x1024xf32, #tpu.memory_space<vmem>>
      %dma_wait3A_294 = arith.constant 0 : i32
      %dma_wait3A_295 = arith.constant 0 : i32
      %dma_wait3A_296 = tpu.memref_slice %arg2[%dma_wait3A_277, %dma_wait3A_294, %dma_wait3A_295] : memref<4x8192x1024xf32, #tpu.memory_space<hbm>> -> memref<1x8x1024xf32, #tpu.memory_space<hbm>>
      %dma_wait3A_297 = tpu.memref_squeeze %dma_wait3A_296 : memref<1x8x1024xf32, #tpu.memory_space<hbm>> -> memref<8x1024xf32, #tpu.memory_space<hbm>>
      tpu.wait_dma2 semaphore(%dma_wait3A_289 : memref<!tpu.dma_semaphore, #tpu.memory_space<semaphore_mem>>) src(%dma_wait3A_297 : memref<8x1024xf32, #tpu.memory_space<hbm>>) dst(%dma_wait3A_293 : memref<8x1024xf32, #tpu.memory_space<vmem>>)
      %ge3A_298 = arith.constant 1 : i32
      %ge3A_299 = arith.cmpi sge, %mul3A_200, %ge3A_298 : i32
      %convert_element_type3A_300 = arith.extui %ge3A_299 : i1 to i32
      %cond3A_301 = arith.constant 0 : i32
      %cond3A_302 = arith.cmpi ne, %convert_element_type3A_300, %cond3A_301 : i32
      scf.if %cond3A_302 {
        %dma_wait3A_692 = arith.constant 5 : i32
        %dma_wait3A_693 = arith.constant 0 : i32
        %dma_wait3A_694 = arith.constant 5 : i32
        %dma_wait3A_695 = arith.constant 0 : i32
        %dma_wait3A_696 = arith.constant 0 : i32
        %dma_wait3A_697 = tpu.memref_slice %arg5[%dma_wait3A_692, %dma_wait3A_695, %dma_wait3A_696] : memref<8x8x1024xf32, #tpu.memory_space<vmem>> -> memref<1x8x1024xf32, #tpu.memory_space<vmem>>
        %dma_wait3A_698 = tpu.memref_squeeze %dma_wait3A_697 : memref<1x8x1024xf32, #tpu.memory_space<vmem>> -> memref<8x1024xf32, #tpu.memory_space<vmem>>
        %dma_wait3A_699 = arith.constant 0 : i32
        %dma_wait3A_700 = arith.constant 0 : i32
        %dma_wait3A_701 = tpu.memref_slice %arg4[%dma_wait3A_693, %dma_wait3A_699, %dma_wait3A_700] : memref<4x8192x1024xf32, #tpu.memory_space<hbm>> -> memref<1x8x1024xf32, #tpu.memory_space<hbm>>
        %dma_wait3A_702 = tpu.memref_squeeze %dma_wait3A_701 : memref<1x8x1024xf32, #tpu.memory_space<hbm>> -> memref<8x1024xf32, #tpu.memory_space<hbm>>
        %dma_wait3A_703 = tpu.memref_slice %arg8[%dma_wait3A_694] : memref<8x!tpu.dma_semaphore, #tpu.memory_space<semaphore_mem>> -> memref<1x!tpu.dma_semaphore, #tpu.memory_space<semaphore_mem>>
        %dma_wait3A_704 = tpu.memref_squeeze %dma_wait3A_703 : memref<1x!tpu.dma_semaphore, #tpu.memory_space<semaphore_mem>> -> memref<!tpu.dma_semaphore, #tpu.memory_space<semaphore_mem>>
        %dma_wait3A_705 = arith.constant 0 : i32
        %dma_wait3A_706 = arith.constant 0 : i32
        %dma_wait3A_707 = tpu.memref_slice %arg4[%dma_wait3A_693, %dma_wait3A_705, %dma_wait3A_706] : memref<4x8192x1024xf32, #tpu.memory_space<hbm>> -> memref<1x8x1024xf32, #tpu.memory_space<hbm>>
        %dma_wait3A_708 = tpu.memref_squeeze %dma_wait3A_707 : memref<1x8x1024xf32, #tpu.memory_space<hbm>> -> memref<8x1024xf32, #tpu.memory_space<hbm>>
        %dma_wait3A_709 = arith.constant 0 : i32
        %dma_wait3A_710 = arith.constant 0 : i32
        %dma_wait3A_711 = tpu.memref_slice %arg5[%dma_wait3A_692, %dma_wait3A_709, %dma_wait3A_710] : memref<8x8x1024xf32, #tpu.memory_space<vmem>> -> memref<1x8x1024xf32, #tpu.memory_space<vmem>>
        %dma_wait3A_712 = tpu.memref_squeeze %dma_wait3A_711 : memref<1x8x1024xf32, #tpu.memory_space<vmem>> -> memref<8x1024xf32, #tpu.memory_space<vmem>>
        tpu.wait_dma2 semaphore(%dma_wait3A_704 : memref<!tpu.dma_semaphore, #tpu.memory_space<semaphore_mem>>) src(%dma_wait3A_712 : memref<8x1024xf32, #tpu.memory_space<vmem>>) dst(%dma_wait3A_708 : memref<8x1024xf32, #tpu.memory_space<hbm>>)
      } else {
      }
      %add3A_303 = arith.constant 1 : i32
      %add3A_304 = arith.addi %mul3A_200, %add3A_303 : i32
      %lt3A_305 = arith.constant 32 : i32
      %lt3A_306 = arith.cmpi slt, %add3A_304, %lt3A_305 : i32
      %convert_element_type3A_307 = arith.extui %lt3A_306 : i1 to i32
      %cond3A_308 = arith.constant 0 : i32
      %cond3A_309 = arith.cmpi ne, %convert_element_type3A_307, %cond3A_308 : i32
      scf.if %cond3A_309 {
        %add3A_692 = arith.constant 1 : i32
        %add3A_693 = arith.addi %mul3A_200, %add3A_692 : i32
        %mul3A_694 = arith.constant 8 : i32
        %mul3A_695 = arith.muli %add3A_693, %mul3A_694 : i32
        %add3A_696 = arith.addi %add3A_4, %mul3A_695 : i32
        %dma_start3A_697 = arith.constant 1 : i32
        %dma_start3A_698 = arith.constant 5 : i32
        %dma_start3A_699 = arith.constant 5 : i32
        %dma_start3A_700 = arith.constant 0 : i32
        %dma_start3A_701 = arith.constant 0 : i32
        %dma_start3A_702 = tpu.memref_slice %arg5[%dma_start3A_698, %dma_start3A_700, %dma_start3A_701] : memref<8x8x1024xf32, #tpu.memory_space<vmem>> -> memref<1x8x1024xf32, #tpu.memory_space<vmem>>
        %dma_start3A_703 = tpu.memref_squeeze %dma_start3A_702 : memref<1x8x1024xf32, #tpu.memory_space<vmem>> -> memref<8x1024xf32, #tpu.memory_space<vmem>>
        %dma_start3A_704 = arith.constant 0 : i32
        %dma_start3A_705 = tpu.memref_slice %arg2[%dma_start3A_697, %add3A_696, %dma_start3A_704] : memref<4x8192x1024xf32, #tpu.memory_space<hbm>> -> memref<1x8x1024xf32, #tpu.memory_space<hbm>>
        %dma_start3A_706 = tpu.memref_squeeze %dma_start3A_705 : memref<1x8x1024xf32, #tpu.memory_space<hbm>> -> memref<8x1024xf32, #tpu.memory_space<hbm>>
        %dma_start3A_707 = tpu.memref_slice %arg7[%dma_start3A_699] : memref<8x!tpu.dma_semaphore, #tpu.memory_space<semaphore_mem>> -> memref<1x!tpu.dma_semaphore, #tpu.memory_space<semaphore_mem>>
        %dma_start3A_708 = tpu.memref_squeeze %dma_start3A_707 : memref<1x!tpu.dma_semaphore, #tpu.memory_space<semaphore_mem>> -> memref<!tpu.dma_semaphore, #tpu.memory_space<semaphore_mem>>
        %dma_start3A_709 = arith.constant 0 : i32
        %dma_start3A_710 = arith.constant 0 : i32
        %dma_start3A_711 = tpu.memref_slice %arg5[%dma_start3A_698, %dma_start3A_709, %dma_start3A_710] : memref<8x8x1024xf32, #tpu.memory_space<vmem>> -> memref<1x8x1024xf32, #tpu.memory_space<vmem>>
        %dma_start3A_712 = tpu.memref_squeeze %dma_start3A_711 : memref<1x8x1024xf32, #tpu.memory_space<vmem>> -> memref<8x1024xf32, #tpu.memory_space<vmem>>
        %dma_start3A_713 = arith.constant 0 : i32
        %dma_start3A_714 = tpu.memref_slice %arg2[%dma_start3A_697, %add3A_696, %dma_start3A_713] : memref<4x8192x1024xf32, #tpu.memory_space<hbm>> -> memref<1x8x1024xf32, #tpu.memory_space<hbm>>
        %dma_start3A_715 = tpu.memref_squeeze %dma_start3A_714 : memref<1x8x1024xf32, #tpu.memory_space<hbm>> -> memref<8x1024xf32, #tpu.memory_space<hbm>>
        tpu.enqueue_dma source(%dma_start3A_715 : memref<8x1024xf32, #tpu.memory_space<hbm>>) target(%dma_start3A_712 : memref<8x1024xf32, #tpu.memory_space<vmem>>) target_semaphore(%dma_start3A_708 : memref<!tpu.dma_semaphore, #tpu.memory_space<semaphore_mem>>)
      } else {
      }
      %mul3A_310 = arith.constant 8 : i32
      %mul3A_311 = arith.muli %mul3A_200, %mul3A_310 : i32
      %add3A_312 = arith.addi %mul3A_6, %mul3A_311 : i32
      %dma_start3A_313 = arith.constant 1 : i32
      %dma_start3A_314 = arith.constant 1 : i32
      %dma_start3A_315 = arith.constant 1 : i32
      %dma_start3A_316 = arith.constant 0 : i32
      %dma_start3A_317 = arith.constant 0 : i32
      %dma_start3A_318 = tpu.memref_slice %arg5[%dma_start3A_313, %dma_start3A_316, %dma_start3A_317] : memref<8x8x1024xf32, #tpu.memory_space<vmem>> -> memref<1x8x1024xf32, #tpu.memory_space<vmem>>
      %dma_start3A_319 = tpu.memref_squeeze %dma_start3A_318 : memref<1x8x1024xf32, #tpu.memory_space<vmem>> -> memref<8x1024xf32, #tpu.memory_space<vmem>>
      %dma_start3A_320 = arith.constant 0 : i32
      %dma_start3A_321 = tpu.memref_slice %arg4[%dma_start3A_314, %add3A_312, %dma_start3A_320] : memref<4x8192x1024xf32, #tpu.memory_space<hbm>> -> memref<1x8x1024xf32, #tpu.memory_space<hbm>>
      %dma_start3A_322 = tpu.memref_squeeze %dma_start3A_321 : memref<1x8x1024xf32, #tpu.memory_space<hbm>> -> memref<8x1024xf32, #tpu.memory_space<hbm>>
      %dma_start3A_323 = tpu.memref_slice %arg8[%dma_start3A_315] : memref<8x!tpu.dma_semaphore, #tpu.memory_space<semaphore_mem>> -> memref<1x!tpu.dma_semaphore, #tpu.memory_space<semaphore_mem>>
      %dma_start3A_324 = tpu.memref_squeeze %dma_start3A_323 : memref<1x!tpu.dma_semaphore, #tpu.memory_space<semaphore_mem>> -> memref<!tpu.dma_semaphore, #tpu.memory_space<semaphore_mem>>
      %dma_start3A_325 = arith.constant 0 : i32
      %dma_start3A_326 = tpu.memref_slice %arg4[%dma_start3A_314, %add3A_312, %dma_start3A_325] : memref<4x8192x1024xf32, #tpu.memory_space<hbm>> -> memref<1x8x1024xf32, #tpu.memory_space<hbm>>
      %dma_start3A_327 = tpu.memref_squeeze %dma_start3A_326 : memref<1x8x1024xf32, #tpu.memory_space<hbm>> -> memref<8x1024xf32, #tpu.memory_space<hbm>>
      %dma_start3A_328 = arith.constant 0 : i32
      %dma_start3A_329 = arith.constant 0 : i32
      %dma_start3A_330 = tpu.memref_slice %arg5[%dma_start3A_313, %dma_start3A_328, %dma_start3A_329] : memref<8x8x1024xf32, #tpu.memory_space<vmem>> -> memref<1x8x1024xf32, #tpu.memory_space<vmem>>
      %dma_start3A_331 = tpu.memref_squeeze %dma_start3A_330 : memref<1x8x1024xf32, #tpu.memory_space<vmem>> -> memref<8x1024xf32, #tpu.memory_space<vmem>>
      tpu.enqueue_dma source(%dma_start3A_331 : memref<8x1024xf32, #tpu.memory_space<vmem>>) target(%dma_start3A_327 : memref<8x1024xf32, #tpu.memory_space<hbm>>) target_semaphore(%dma_start3A_324 : memref<!tpu.dma_semaphore, #tpu.memory_space<semaphore_mem>>)
      %dma_wait3A_332 = arith.constant 0 : i32
      %dma_wait3A_333 = arith.constant 2 : i32
      %dma_wait3A_334 = arith.constant 2 : i32
      %dma_wait3A_335 = arith.constant 0 : i32
      %dma_wait3A_336 = arith.constant 0 : i32
      %dma_wait3A_337 = tpu.memref_slice %arg5[%dma_wait3A_333, %dma_wait3A_335, %dma_wait3A_336] : memref<8x8x1024xf32, #tpu.memory_space<vmem>> -> memref<1x8x1024xf32, #tpu.memory_space<vmem>>
      %dma_wait3A_338 = tpu.memref_squeeze %dma_wait3A_337 : memref<1x8x1024xf32, #tpu.memory_space<vmem>> -> memref<8x1024xf32, #tpu.memory_space<vmem>>
      %dma_wait3A_339 = arith.constant 0 : i32
      %dma_wait3A_340 = arith.constant 0 : i32
      %dma_wait3A_341 = tpu.memref_slice %arg2[%dma_wait3A_332, %dma_wait3A_339, %dma_wait3A_340] : memref<4x8192x1024xf32, #tpu.memory_space<hbm>> -> memref<1x8x1024xf32, #tpu.memory_space<hbm>>
      %dma_wait3A_342 = tpu.memref_squeeze %dma_wait3A_341 : memref<1x8x1024xf32, #tpu.memory_space<hbm>> -> memref<8x1024xf32, #tpu.memory_space<hbm>>
      %dma_wait3A_343 = tpu.memref_slice %arg7[%dma_wait3A_334] : memref<8x!tpu.dma_semaphore, #tpu.memory_space<semaphore_mem>> -> memref<1x!tpu.dma_semaphore, #tpu.memory_space<semaphore_mem>>
      %dma_wait3A_344 = tpu.memref_squeeze %dma_wait3A_343 : memref<1x!tpu.dma_semaphore, #tpu.memory_space<semaphore_mem>> -> memref<!tpu.dma_semaphore, #tpu.memory_space<semaphore_mem>>
      %dma_wait3A_345 = arith.constant 0 : i32
      %dma_wait3A_346 = arith.constant 0 : i32
      %dma_wait3A_347 = tpu.memref_slice %arg5[%dma_wait3A_333, %dma_wait3A_345, %dma_wait3A_346] : memref<8x8x1024xf32, #tpu.memory_space<vmem>> -> memref<1x8x1024xf32, #tpu.memory_space<vmem>>
      %dma_wait3A_348 = tpu.memref_squeeze %dma_wait3A_347 : memref<1x8x1024xf32, #tpu.memory_space<vmem>> -> memref<8x1024xf32, #tpu.memory_space<vmem>>
      %dma_wait3A_349 = arith.constant 0 : i32
      %dma_wait3A_350 = arith.constant 0 : i32
      %dma_wait3A_351 = tpu.memref_slice %arg2[%dma_wait3A_332, %dma_wait3A_349, %dma_wait3A_350] : memref<4x8192x1024xf32, #tpu.memory_space<hbm>> -> memref<1x8x1024xf32, #tpu.memory_space<hbm>>
      %dma_wait3A_352 = tpu.memref_squeeze %dma_wait3A_351 : memref<1x8x1024xf32, #tpu.memory_space<hbm>> -> memref<8x1024xf32, #tpu.memory_space<hbm>>
      tpu.wait_dma2 semaphore(%dma_wait3A_344 : memref<!tpu.dma_semaphore, #tpu.memory_space<semaphore_mem>>) src(%dma_wait3A_352 : memref<8x1024xf32, #tpu.memory_space<hbm>>) dst(%dma_wait3A_348 : memref<8x1024xf32, #tpu.memory_space<vmem>>)
      %ge3A_353 = arith.constant 1 : i32
      %ge3A_354 = arith.cmpi sge, %mul3A_200, %ge3A_353 : i32
      %convert_element_type3A_355 = arith.extui %ge3A_354 : i1 to i32
      %cond3A_356 = arith.constant 0 : i32
      %cond3A_357 = arith.cmpi ne, %convert_element_type3A_355, %cond3A_356 : i32
      scf.if %cond3A_357 {
        %dma_wait3A_692 = arith.constant 6 : i32
        %dma_wait3A_693 = arith.constant 0 : i32
        %dma_wait3A_694 = arith.constant 6 : i32
        %dma_wait3A_695 = arith.constant 0 : i32
        %dma_wait3A_696 = arith.constant 0 : i32
        %dma_wait3A_697 = tpu.memref_slice %arg5[%dma_wait3A_692, %dma_wait3A_695, %dma_wait3A_696] : memref<8x8x1024xf32, #tpu.memory_space<vmem>> -> memref<1x8x1024xf32, #tpu.memory_space<vmem>>
        %dma_wait3A_698 = tpu.memref_squeeze %dma_wait3A_697 : memref<1x8x1024xf32, #tpu.memory_space<vmem>> -> memref<8x1024xf32, #tpu.memory_space<vmem>>
        %dma_wait3A_699 = arith.constant 0 : i32
        %dma_wait3A_700 = arith.constant 0 : i32
        %dma_wait3A_701 = tpu.memref_slice %arg4[%dma_wait3A_693, %dma_wait3A_699, %dma_wait3A_700] : memref<4x8192x1024xf32, #tpu.memory_space<hbm>> -> memref<1x8x1024xf32, #tpu.memory_space<hbm>>
        %dma_wait3A_702 = tpu.memref_squeeze %dma_wait3A_701 : memref<1x8x1024xf32, #tpu.memory_space<hbm>> -> memref<8x1024xf32, #tpu.memory_space<hbm>>
        %dma_wait3A_703 = tpu.memref_slice %arg8[%dma_wait3A_694] : memref<8x!tpu.dma_semaphore, #tpu.memory_space<semaphore_mem>> -> memref<1x!tpu.dma_semaphore, #tpu.memory_space<semaphore_mem>>
        %dma_wait3A_704 = tpu.memref_squeeze %dma_wait3A_703 : memref<1x!tpu.dma_semaphore, #tpu.memory_space<semaphore_mem>> -> memref<!tpu.dma_semaphore, #tpu.memory_space<semaphore_mem>>
        %dma_wait3A_705 = arith.constant 0 : i32
        %dma_wait3A_706 = arith.constant 0 : i32
        %dma_wait3A_707 = tpu.memref_slice %arg4[%dma_wait3A_693, %dma_wait3A_705, %dma_wait3A_706] : memref<4x8192x1024xf32, #tpu.memory_space<hbm>> -> memref<1x8x1024xf32, #tpu.memory_space<hbm>>
        %dma_wait3A_708 = tpu.memref_squeeze %dma_wait3A_707 : memref<1x8x1024xf32, #tpu.memory_space<hbm>> -> memref<8x1024xf32, #tpu.memory_space<hbm>>
        %dma_wait3A_709 = arith.constant 0 : i32
        %dma_wait3A_710 = arith.constant 0 : i32
        %dma_wait3A_711 = tpu.memref_slice %arg5[%dma_wait3A_692, %dma_wait3A_709, %dma_wait3A_710] : memref<8x8x1024xf32, #tpu.memory_space<vmem>> -> memref<1x8x1024xf32, #tpu.memory_space<vmem>>
        %dma_wait3A_712 = tpu.memref_squeeze %dma_wait3A_711 : memref<1x8x1024xf32, #tpu.memory_space<vmem>> -> memref<8x1024xf32, #tpu.memory_space<vmem>>
        tpu.wait_dma2 semaphore(%dma_wait3A_704 : memref<!tpu.dma_semaphore, #tpu.memory_space<semaphore_mem>>) src(%dma_wait3A_712 : memref<8x1024xf32, #tpu.memory_space<vmem>>) dst(%dma_wait3A_708 : memref<8x1024xf32, #tpu.memory_space<hbm>>)
      } else {
      }
      %add3A_358 = arith.constant 1 : i32
      %add3A_359 = arith.addi %mul3A_200, %add3A_358 : i32
      %lt3A_360 = arith.constant 32 : i32
      %lt3A_361 = arith.cmpi slt, %add3A_359, %lt3A_360 : i32
      %convert_element_type3A_362 = arith.extui %lt3A_361 : i1 to i32
      %cond3A_363 = arith.constant 0 : i32
      %cond3A_364 = arith.cmpi ne, %convert_element_type3A_362, %cond3A_363 : i32
      scf.if %cond3A_364 {
        %add3A_692 = arith.constant 1 : i32
        %add3A_693 = arith.addi %mul3A_200, %add3A_692 : i32
        %mul3A_694 = arith.constant 8 : i32
        %mul3A_695 = arith.muli %add3A_693, %mul3A_694 : i32
        %add3A_696 = arith.addi %add3A_4, %mul3A_695 : i32
        %dma_start3A_697 = arith.constant 2 : i32
        %dma_start3A_698 = arith.constant 6 : i32
        %dma_start3A_699 = arith.constant 6 : i32
        %dma_start3A_700 = arith.constant 0 : i32
        %dma_start3A_701 = arith.constant 0 : i32
        %dma_start3A_702 = tpu.memref_slice %arg5[%dma_start3A_698, %dma_start3A_700, %dma_start3A_701] : memref<8x8x1024xf32, #tpu.memory_space<vmem>> -> memref<1x8x1024xf32, #tpu.memory_space<vmem>>
        %dma_start3A_703 = tpu.memref_squeeze %dma_start3A_702 : memref<1x8x1024xf32, #tpu.memory_space<vmem>> -> memref<8x1024xf32, #tpu.memory_space<vmem>>
        %dma_start3A_704 = arith.constant 0 : i32
        %dma_start3A_705 = tpu.memref_slice %arg2[%dma_start3A_697, %add3A_696, %dma_start3A_704] : memref<4x8192x1024xf32, #tpu.memory_space<hbm>> -> memref<1x8x1024xf32, #tpu.memory_space<hbm>>
        %dma_start3A_706 = tpu.memref_squeeze %dma_start3A_705 : memref<1x8x1024xf32, #tpu.memory_space<hbm>> -> memref<8x1024xf32, #tpu.memory_space<hbm>>
        %dma_start3A_707 = tpu.memref_slice %arg7[%dma_start3A_699] : memref<8x!tpu.dma_semaphore, #tpu.memory_space<semaphore_mem>> -> memref<1x!tpu.dma_semaphore, #tpu.memory_space<semaphore_mem>>
        %dma_start3A_708 = tpu.memref_squeeze %dma_start3A_707 : memref<1x!tpu.dma_semaphore, #tpu.memory_space<semaphore_mem>> -> memref<!tpu.dma_semaphore, #tpu.memory_space<semaphore_mem>>
        %dma_start3A_709 = arith.constant 0 : i32
        %dma_start3A_710 = arith.constant 0 : i32
        %dma_start3A_711 = tpu.memref_slice %arg5[%dma_start3A_698, %dma_start3A_709, %dma_start3A_710] : memref<8x8x1024xf32, #tpu.memory_space<vmem>> -> memref<1x8x1024xf32, #tpu.memory_space<vmem>>
        %dma_start3A_712 = tpu.memref_squeeze %dma_start3A_711 : memref<1x8x1024xf32, #tpu.memory_space<vmem>> -> memref<8x1024xf32, #tpu.memory_space<vmem>>
        %dma_start3A_713 = arith.constant 0 : i32
        %dma_start3A_714 = tpu.memref_slice %arg2[%dma_start3A_697, %add3A_696, %dma_start3A_713] : memref<4x8192x1024xf32, #tpu.memory_space<hbm>> -> memref<1x8x1024xf32, #tpu.memory_space<hbm>>
        %dma_start3A_715 = tpu.memref_squeeze %dma_start3A_714 : memref<1x8x1024xf32, #tpu.memory_space<hbm>> -> memref<8x1024xf32, #tpu.memory_space<hbm>>
        tpu.enqueue_dma source(%dma_start3A_715 : memref<8x1024xf32, #tpu.memory_space<hbm>>) target(%dma_start3A_712 : memref<8x1024xf32, #tpu.memory_space<vmem>>) target_semaphore(%dma_start3A_708 : memref<!tpu.dma_semaphore, #tpu.memory_space<semaphore_mem>>)
      } else {
      }
      %mul3A_365 = arith.constant 8 : i32
      %mul3A_366 = arith.muli %mul3A_200, %mul3A_365 : i32
      %add3A_367 = arith.addi %mul3A_6, %mul3A_366 : i32
      %dma_start3A_368 = arith.constant 2 : i32
      %dma_start3A_369 = arith.constant 2 : i32
      %dma_start3A_370 = arith.constant 2 : i32
      %dma_start3A_371 = arith.constant 0 : i32
      %dma_start3A_372 = arith.constant 0 : i32
      %dma_start3A_373 = tpu.memref_slice %arg5[%dma_start3A_368, %dma_start3A_371, %dma_start3A_372] : memref<8x8x1024xf32, #tpu.memory_space<vmem>> -> memref<1x8x1024xf32, #tpu.memory_space<vmem>>
      %dma_start3A_374 = tpu.memref_squeeze %dma_start3A_373 : memref<1x8x1024xf32, #tpu.memory_space<vmem>> -> memref<8x1024xf32, #tpu.memory_space<vmem>>
      %dma_start3A_375 = arith.constant 0 : i32
      %dma_start3A_376 = tpu.memref_slice %arg4[%dma_start3A_369, %add3A_367, %dma_start3A_375] : memref<4x8192x1024xf32, #tpu.memory_space<hbm>> -> memref<1x8x1024xf32, #tpu.memory_space<hbm>>
      %dma_start3A_377 = tpu.memref_squeeze %dma_start3A_376 : memref<1x8x1024xf32, #tpu.memory_space<hbm>> -> memref<8x1024xf32, #tpu.memory_space<hbm>>
      %dma_start3A_378 = tpu.memref_slice %arg8[%dma_start3A_370] : memref<8x!tpu.dma_semaphore, #tpu.memory_space<semaphore_mem>> -> memref<1x!tpu.dma_semaphore, #tpu.memory_space<semaphore_mem>>
      %dma_start3A_379 = tpu.memref_squeeze %dma_start3A_378 : memref<1x!tpu.dma_semaphore, #tpu.memory_space<semaphore_mem>> -> memref<!tpu.dma_semaphore, #tpu.memory_space<semaphore_mem>>
      %dma_start3A_380 = arith.constant 0 : i32
      %dma_start3A_381 = tpu.memref_slice %arg4[%dma_start3A_369, %add3A_367, %dma_start3A_380] : memref<4x8192x1024xf32, #tpu.memory_space<hbm>> -> memref<1x8x1024xf32, #tpu.memory_space<hbm>>
      %dma_start3A_382 = tpu.memref_squeeze %dma_start3A_381 : memref<1x8x1024xf32, #tpu.memory_space<hbm>> -> memref<8x1024xf32, #tpu.memory_space<hbm>>
      %dma_start3A_383 = arith.constant 0 : i32
      %dma_start3A_384 = arith.constant 0 : i32
      %dma_start3A_385 = tpu.memref_slice %arg5[%dma_start3A_368, %dma_start3A_383, %dma_start3A_384] : memref<8x8x1024xf32, #tpu.memory_space<vmem>> -> memref<1x8x1024xf32, #tpu.memory_space<vmem>>
      %dma_start3A_386 = tpu.memref_squeeze %dma_start3A_385 : memref<1x8x1024xf32, #tpu.memory_space<vmem>> -> memref<8x1024xf32, #tpu.memory_space<vmem>>
      tpu.enqueue_dma source(%dma_start3A_386 : memref<8x1024xf32, #tpu.memory_space<vmem>>) target(%dma_start3A_382 : memref<8x1024xf32, #tpu.memory_space<hbm>>) target_semaphore(%dma_start3A_379 : memref<!tpu.dma_semaphore, #tpu.memory_space<semaphore_mem>>)
      %dma_wait3A_387 = arith.constant 0 : i32
      %dma_wait3A_388 = arith.constant 3 : i32
      %dma_wait3A_389 = arith.constant 3 : i32
      %dma_wait3A_390 = arith.constant 0 : i32
      %dma_wait3A_391 = arith.constant 0 : i32
      %dma_wait3A_392 = tpu.memref_slice %arg5[%dma_wait3A_388, %dma_wait3A_390, %dma_wait3A_391] : memref<8x8x1024xf32, #tpu.memory_space<vmem>> -> memref<1x8x1024xf32, #tpu.memory_space<vmem>>
      %dma_wait3A_393 = tpu.memref_squeeze %dma_wait3A_392 : memref<1x8x1024xf32, #tpu.memory_space<vmem>> -> memref<8x1024xf32, #tpu.memory_space<vmem>>
      %dma_wait3A_394 = arith.constant 0 : i32
      %dma_wait3A_395 = arith.constant 0 : i32
      %dma_wait3A_396 = tpu.memref_slice %arg2[%dma_wait3A_387, %dma_wait3A_394, %dma_wait3A_395] : memref<4x8192x1024xf32, #tpu.memory_space<hbm>> -> memref<1x8x1024xf32, #tpu.memory_space<hbm>>
      %dma_wait3A_397 = tpu.memref_squeeze %dma_wait3A_396 : memref<1x8x1024xf32, #tpu.memory_space<hbm>> -> memref<8x1024xf32, #tpu.memory_space<hbm>>
      %dma_wait3A_398 = tpu.memref_slice %arg7[%dma_wait3A_389] : memref<8x!tpu.dma_semaphore, #tpu.memory_space<semaphore_mem>> -> memref<1x!tpu.dma_semaphore, #tpu.memory_space<semaphore_mem>>
      %dma_wait3A_399 = tpu.memref_squeeze %dma_wait3A_398 : memref<1x!tpu.dma_semaphore, #tpu.memory_space<semaphore_mem>> -> memref<!tpu.dma_semaphore, #tpu.memory_space<semaphore_mem>>
      %dma_wait3A_400 = arith.constant 0 : i32
      %dma_wait3A_401 = arith.constant 0 : i32
      %dma_wait3A_402 = tpu.memref_slice %arg5[%dma_wait3A_388, %dma_wait3A_400, %dma_wait3A_401] : memref<8x8x1024xf32, #tpu.memory_space<vmem>> -> memref<1x8x1024xf32, #tpu.memory_space<vmem>>
      %dma_wait3A_403 = tpu.memref_squeeze %dma_wait3A_402 : memref<1x8x1024xf32, #tpu.memory_space<vmem>> -> memref<8x1024xf32, #tpu.memory_space<vmem>>
      %dma_wait3A_404 = arith.constant 0 : i32
      %dma_wait3A_405 = arith.constant 0 : i32
      %dma_wait3A_406 = tpu.memref_slice %arg2[%dma_wait3A_387, %dma_wait3A_404, %dma_wait3A_405] : memref<4x8192x1024xf32, #tpu.memory_space<hbm>> -> memref<1x8x1024xf32, #tpu.memory_space<hbm>>
      %dma_wait3A_407 = tpu.memref_squeeze %dma_wait3A_406 : memref<1x8x1024xf32, #tpu.memory_space<hbm>> -> memref<8x1024xf32, #tpu.memory_space<hbm>>
      tpu.wait_dma2 semaphore(%dma_wait3A_399 : memref<!tpu.dma_semaphore, #tpu.memory_space<semaphore_mem>>) src(%dma_wait3A_407 : memref<8x1024xf32, #tpu.memory_space<hbm>>) dst(%dma_wait3A_403 : memref<8x1024xf32, #tpu.memory_space<vmem>>)
      %ge3A_408 = arith.constant 1 : i32
      %ge3A_409 = arith.cmpi sge, %mul3A_200, %ge3A_408 : i32
      %convert_element_type3A_410 = arith.extui %ge3A_409 : i1 to i32
      %cond3A_411 = arith.constant 0 : i32
      %cond3A_412 = arith.cmpi ne, %convert_element_type3A_410, %cond3A_411 : i32
      scf.if %cond3A_412 {
        %dma_wait3A_692 = arith.constant 7 : i32
        %dma_wait3A_693 = arith.constant 0 : i32
        %dma_wait3A_694 = arith.constant 7 : i32
        %dma_wait3A_695 = arith.constant 0 : i32
        %dma_wait3A_696 = arith.constant 0 : i32
        %dma_wait3A_697 = tpu.memref_slice %arg5[%dma_wait3A_692, %dma_wait3A_695, %dma_wait3A_696] : memref<8x8x1024xf32, #tpu.memory_space<vmem>> -> memref<1x8x1024xf32, #tpu.memory_space<vmem>>
        %dma_wait3A_698 = tpu.memref_squeeze %dma_wait3A_697 : memref<1x8x1024xf32, #tpu.memory_space<vmem>> -> memref<8x1024xf32, #tpu.memory_space<vmem>>
        %dma_wait3A_699 = arith.constant 0 : i32
        %dma_wait3A_700 = arith.constant 0 : i32
        %dma_wait3A_701 = tpu.memref_slice %arg4[%dma_wait3A_693, %dma_wait3A_699, %dma_wait3A_700] : memref<4x8192x1024xf32, #tpu.memory_space<hbm>> -> memref<1x8x1024xf32, #tpu.memory_space<hbm>>
        %dma_wait3A_702 = tpu.memref_squeeze %dma_wait3A_701 : memref<1x8x1024xf32, #tpu.memory_space<hbm>> -> memref<8x1024xf32, #tpu.memory_space<hbm>>
        %dma_wait3A_703 = tpu.memref_slice %arg8[%dma_wait3A_694] : memref<8x!tpu.dma_semaphore, #tpu.memory_space<semaphore_mem>> -> memref<1x!tpu.dma_semaphore, #tpu.memory_space<semaphore_mem>>
        %dma_wait3A_704 = tpu.memref_squeeze %dma_wait3A_703 : memref<1x!tpu.dma_semaphore, #tpu.memory_space<semaphore_mem>> -> memref<!tpu.dma_semaphore, #tpu.memory_space<semaphore_mem>>
        %dma_wait3A_705 = arith.constant 0 : i32
        %dma_wait3A_706 = arith.constant 0 : i32
        %dma_wait3A_707 = tpu.memref_slice %arg4[%dma_wait3A_693, %dma_wait3A_705, %dma_wait3A_706] : memref<4x8192x1024xf32, #tpu.memory_space<hbm>> -> memref<1x8x1024xf32, #tpu.memory_space<hbm>>
        %dma_wait3A_708 = tpu.memref_squeeze %dma_wait3A_707 : memref<1x8x1024xf32, #tpu.memory_space<hbm>> -> memref<8x1024xf32, #tpu.memory_space<hbm>>
        %dma_wait3A_709 = arith.constant 0 : i32
        %dma_wait3A_710 = arith.constant 0 : i32
        %dma_wait3A_711 = tpu.memref_slice %arg5[%dma_wait3A_692, %dma_wait3A_709, %dma_wait3A_710] : memref<8x8x1024xf32, #tpu.memory_space<vmem>> -> memref<1x8x1024xf32, #tpu.memory_space<vmem>>
        %dma_wait3A_712 = tpu.memref_squeeze %dma_wait3A_711 : memref<1x8x1024xf32, #tpu.memory_space<vmem>> -> memref<8x1024xf32, #tpu.memory_space<vmem>>
        tpu.wait_dma2 semaphore(%dma_wait3A_704 : memref<!tpu.dma_semaphore, #tpu.memory_space<semaphore_mem>>) src(%dma_wait3A_712 : memref<8x1024xf32, #tpu.memory_space<vmem>>) dst(%dma_wait3A_708 : memref<8x1024xf32, #tpu.memory_space<hbm>>)
      } else {
      }
      %add3A_413 = arith.constant 1 : i32
      %add3A_414 = arith.addi %mul3A_200, %add3A_413 : i32
      %lt3A_415 = arith.constant 32 : i32
      %lt3A_416 = arith.cmpi slt, %add3A_414, %lt3A_415 : i32
      %convert_element_type3A_417 = arith.extui %lt3A_416 : i1 to i32
      %cond3A_418 = arith.constant 0 : i32
      %cond3A_419 = arith.cmpi ne, %convert_element_type3A_417, %cond3A_418 : i32
      scf.if %cond3A_419 {
        %add3A_692 = arith.constant 1 : i32
        %add3A_693 = arith.addi %mul3A_200, %add3A_692 : i32
        %mul3A_694 = arith.constant 8 : i32
        %mul3A_695 = arith.muli %add3A_693, %mul3A_694 : i32
        %add3A_696 = arith.addi %add3A_4, %mul3A_695 : i32
        %dma_start3A_697 = arith.constant 3 : i32
        %dma_start3A_698 = arith.constant 7 : i32
        %dma_start3A_699 = arith.constant 7 : i32
        %dma_start3A_700 = arith.constant 0 : i32
        %dma_start3A_701 = arith.constant 0 : i32
        %dma_start3A_702 = tpu.memref_slice %arg5[%dma_start3A_698, %dma_start3A_700, %dma_start3A_701] : memref<8x8x1024xf32, #tpu.memory_space<vmem>> -> memref<1x8x1024xf32, #tpu.memory_space<vmem>>
        %dma_start3A_703 = tpu.memref_squeeze %dma_start3A_702 : memref<1x8x1024xf32, #tpu.memory_space<vmem>> -> memref<8x1024xf32, #tpu.memory_space<vmem>>
        %dma_start3A_704 = arith.constant 0 : i32
        %dma_start3A_705 = tpu.memref_slice %arg2[%dma_start3A_697, %add3A_696, %dma_start3A_704] : memref<4x8192x1024xf32, #tpu.memory_space<hbm>> -> memref<1x8x1024xf32, #tpu.memory_space<hbm>>
        %dma_start3A_706 = tpu.memref_squeeze %dma_start3A_705 : memref<1x8x1024xf32, #tpu.memory_space<hbm>> -> memref<8x1024xf32, #tpu.memory_space<hbm>>
        %dma_start3A_707 = tpu.memref_slice %arg7[%dma_start3A_699] : memref<8x!tpu.dma_semaphore, #tpu.memory_space<semaphore_mem>> -> memref<1x!tpu.dma_semaphore, #tpu.memory_space<semaphore_mem>>
        %dma_start3A_708 = tpu.memref_squeeze %dma_start3A_707 : memref<1x!tpu.dma_semaphore, #tpu.memory_space<semaphore_mem>> -> memref<!tpu.dma_semaphore, #tpu.memory_space<semaphore_mem>>
        %dma_start3A_709 = arith.constant 0 : i32
        %dma_start3A_710 = arith.constant 0 : i32
        %dma_start3A_711 = tpu.memref_slice %arg5[%dma_start3A_698, %dma_start3A_709, %dma_start3A_710] : memref<8x8x1024xf32, #tpu.memory_space<vmem>> -> memref<1x8x1024xf32, #tpu.memory_space<vmem>>
        %dma_start3A_712 = tpu.memref_squeeze %dma_start3A_711 : memref<1x8x1024xf32, #tpu.memory_space<vmem>> -> memref<8x1024xf32, #tpu.memory_space<vmem>>
        %dma_start3A_713 = arith.constant 0 : i32
        %dma_start3A_714 = tpu.memref_slice %arg2[%dma_start3A_697, %add3A_696, %dma_start3A_713] : memref<4x8192x1024xf32, #tpu.memory_space<hbm>> -> memref<1x8x1024xf32, #tpu.memory_space<hbm>>
        %dma_start3A_715 = tpu.memref_squeeze %dma_start3A_714 : memref<1x8x1024xf32, #tpu.memory_space<hbm>> -> memref<8x1024xf32, #tpu.memory_space<hbm>>
        tpu.enqueue_dma source(%dma_start3A_715 : memref<8x1024xf32, #tpu.memory_space<hbm>>) target(%dma_start3A_712 : memref<8x1024xf32, #tpu.memory_space<vmem>>) target_semaphore(%dma_start3A_708 : memref<!tpu.dma_semaphore, #tpu.memory_space<semaphore_mem>>)
      } else {
      }
      %mul3A_420 = arith.constant 8 : i32
      %mul3A_421 = arith.muli %mul3A_200, %mul3A_420 : i32
      %add3A_422 = arith.addi %mul3A_6, %mul3A_421 : i32
      %dma_start3A_423 = arith.constant 3 : i32
      %dma_start3A_424 = arith.constant 3 : i32
      %dma_start3A_425 = arith.constant 3 : i32
      %dma_start3A_426 = arith.constant 0 : i32
      %dma_start3A_427 = arith.constant 0 : i32
      %dma_start3A_428 = tpu.memref_slice %arg5[%dma_start3A_423, %dma_start3A_426, %dma_start3A_427] : memref<8x8x1024xf32, #tpu.memory_space<vmem>> -> memref<1x8x1024xf32, #tpu.memory_space<vmem>>
      %dma_start3A_429 = tpu.memref_squeeze %dma_start3A_428 : memref<1x8x1024xf32, #tpu.memory_space<vmem>> -> memref<8x1024xf32, #tpu.memory_space<vmem>>
      %dma_start3A_430 = arith.constant 0 : i32
      %dma_start3A_431 = tpu.memref_slice %arg4[%dma_start3A_424, %add3A_422, %dma_start3A_430] : memref<4x8192x1024xf32, #tpu.memory_space<hbm>> -> memref<1x8x1024xf32, #tpu.memory_space<hbm>>
      %dma_start3A_432 = tpu.memref_squeeze %dma_start3A_431 : memref<1x8x1024xf32, #tpu.memory_space<hbm>> -> memref<8x1024xf32, #tpu.memory_space<hbm>>
      %dma_start3A_433 = tpu.memref_slice %arg8[%dma_start3A_425] : memref<8x!tpu.dma_semaphore, #tpu.memory_space<semaphore_mem>> -> memref<1x!tpu.dma_semaphore, #tpu.memory_space<semaphore_mem>>
      %dma_start3A_434 = tpu.memref_squeeze %dma_start3A_433 : memref<1x!tpu.dma_semaphore, #tpu.memory_space<semaphore_mem>> -> memref<!tpu.dma_semaphore, #tpu.memory_space<semaphore_mem>>
      %dma_start3A_435 = arith.constant 0 : i32
      %dma_start3A_436 = tpu.memref_slice %arg4[%dma_start3A_424, %add3A_422, %dma_start3A_435] : memref<4x8192x1024xf32, #tpu.memory_space<hbm>> -> memref<1x8x1024xf32, #tpu.memory_space<hbm>>
      %dma_start3A_437 = tpu.memref_squeeze %dma_start3A_436 : memref<1x8x1024xf32, #tpu.memory_space<hbm>> -> memref<8x1024xf32, #tpu.memory_space<hbm>>
      %dma_start3A_438 = arith.constant 0 : i32
      %dma_start3A_439 = arith.constant 0 : i32
      %dma_start3A_440 = tpu.memref_slice %arg5[%dma_start3A_423, %dma_start3A_438, %dma_start3A_439] : memref<8x8x1024xf32, #tpu.memory_space<vmem>> -> memref<1x8x1024xf32, #tpu.memory_space<vmem>>
      %dma_start3A_441 = tpu.memref_squeeze %dma_start3A_440 : memref<1x8x1024xf32, #tpu.memory_space<vmem>> -> memref<8x1024xf32, #tpu.memory_space<vmem>>
      tpu.enqueue_dma source(%dma_start3A_441 : memref<8x1024xf32, #tpu.memory_space<vmem>>) target(%dma_start3A_437 : memref<8x1024xf32, #tpu.memory_space<hbm>>) target_semaphore(%dma_start3A_434 : memref<!tpu.dma_semaphore, #tpu.memory_space<semaphore_mem>>)
      %mul3A_442 = arith.constant 2 : i32
      %mul3A_443 = arith.muli %mul3A_442, %scan3A_197 : i32
      %add3A_444 = arith.constant 1 : i32
      %add3A_445 = arith.addi %mul3A_443, %add3A_444 : i32
      %dma_wait3A_446 = arith.constant 1 : i32
      %dma_wait3A_447 = arith.constant 1 : i32
      %dma_wait3A_448 = arith.constant 0 : i32
      %dma_wait3A_449 = arith.constant 0 : i32
      %dma_wait3A_450 = tpu.memref_slice %arg6[%dma_wait3A_446, %dma_wait3A_448, %dma_wait3A_449] : memref<2x8x1024xf32, #tpu.memory_space<vmem>> -> memref<1x8x1024xf32, #tpu.memory_space<vmem>>
      %dma_wait3A_451 = tpu.memref_squeeze %dma_wait3A_450 : memref<1x8x1024xf32, #tpu.memory_space<vmem>> -> memref<8x1024xf32, #tpu.memory_space<vmem>>
      %dma_wait3A_452 = arith.constant 0 : i32
      %dma_wait3A_453 = arith.constant 0 : i32
      %dma_wait3A_454 = tpu.memref_slice %arg3[%dma_wait3A_452, %dma_wait3A_453] : memref<8192x1024xf32, #tpu.memory_space<hbm>> -> memref<8x1024xf32, #tpu.memory_space<hbm>>
      %dma_wait3A_455 = tpu.memref_slice %arg9[%dma_wait3A_447] : memref<2x!tpu.dma_semaphore, #tpu.memory_space<semaphore_mem>> -> memref<1x!tpu.dma_semaphore, #tpu.memory_space<semaphore_mem>>
      %dma_wait3A_456 = tpu.memref_squeeze %dma_wait3A_455 : memref<1x!tpu.dma_semaphore, #tpu.memory_space<semaphore_mem>> -> memref<!tpu.dma_semaphore, #tpu.memory_space<semaphore_mem>>
      %dma_wait3A_457 = arith.constant 0 : i32
      %dma_wait3A_458 = arith.constant 0 : i32
      %dma_wait3A_459 = tpu.memref_slice %arg6[%dma_wait3A_446, %dma_wait3A_457, %dma_wait3A_458] : memref<2x8x1024xf32, #tpu.memory_space<vmem>> -> memref<1x8x1024xf32, #tpu.memory_space<vmem>>
      %dma_wait3A_460 = tpu.memref_squeeze %dma_wait3A_459 : memref<1x8x1024xf32, #tpu.memory_space<vmem>> -> memref<8x1024xf32, #tpu.memory_space<vmem>>
      %dma_wait3A_461 = arith.constant 0 : i32
      %dma_wait3A_462 = arith.constant 0 : i32
      %dma_wait3A_463 = tpu.memref_slice %arg3[%dma_wait3A_461, %dma_wait3A_462] : memref<8192x1024xf32, #tpu.memory_space<hbm>> -> memref<8x1024xf32, #tpu.memory_space<hbm>>
      tpu.wait_dma2 semaphore(%dma_wait3A_456 : memref<!tpu.dma_semaphore, #tpu.memory_space<semaphore_mem>>) src(%dma_wait3A_463 : memref<8x1024xf32, #tpu.memory_space<hbm>>) dst(%dma_wait3A_460 : memref<8x1024xf32, #tpu.memory_space<vmem>>)
      %add3A_464 = arith.constant 1 : i32
      %add3A_465 = arith.addi %add3A_445, %add3A_464 : i32
      %lt3A_466 = arith.constant 32 : i32
      %lt3A_467 = arith.cmpi slt, %add3A_465, %lt3A_466 : i32
      %convert_element_type3A_468 = arith.extui %lt3A_467 : i1 to i32
      %cond3A_469 = arith.constant 0 : i32
      %cond3A_470 = arith.cmpi ne, %convert_element_type3A_468, %cond3A_469 : i32
      scf.if %cond3A_470 {
        %add3A_692 = arith.constant 1 : i32
        %add3A_693 = arith.addi %add3A_445, %add3A_692 : i32
        %mul3A_694 = arith.constant 8 : i32
        %mul3A_695 = arith.muli %add3A_693, %mul3A_694 : i32
        %add3A_696 = arith.addi %add3A_4, %mul3A_695 : i32
        %dma_start3A_697 = arith.constant 0 : i32
        %dma_start3A_698 = arith.constant 0 : i32
        %dma_start3A_699 = arith.constant 0 : i32
        %dma_start3A_700 = arith.constant 0 : i32
        %dma_start3A_701 = tpu.memref_slice %arg6[%dma_start3A_697, %dma_start3A_699, %dma_start3A_700] : memref<2x8x1024xf32, #tpu.memory_space<vmem>> -> memref<1x8x1024xf32, #tpu.memory_space<vmem>>
        %dma_start3A_702 = tpu.memref_squeeze %dma_start3A_701 : memref<1x8x1024xf32, #tpu.memory_space<vmem>> -> memref<8x1024xf32, #tpu.memory_space<vmem>>
        %dma_start3A_703 = arith.constant 0 : i32
        %dma_start3A_704 = tpu.memref_slice %arg3[%add3A_696, %dma_start3A_703] : memref<8192x1024xf32, #tpu.memory_space<hbm>> -> memref<8x1024xf32, #tpu.memory_space<hbm>>
        %dma_start3A_705 = tpu.memref_slice %arg9[%dma_start3A_698] : memref<2x!tpu.dma_semaphore, #tpu.memory_space<semaphore_mem>> -> memref<1x!tpu.dma_semaphore, #tpu.memory_space<semaphore_mem>>
        %dma_start3A_706 = tpu.memref_squeeze %dma_start3A_705 : memref<1x!tpu.dma_semaphore, #tpu.memory_space<semaphore_mem>> -> memref<!tpu.dma_semaphore, #tpu.memory_space<semaphore_mem>>
        %dma_start3A_707 = arith.constant 0 : i32
        %dma_start3A_708 = arith.constant 0 : i32
        %dma_start3A_709 = tpu.memref_slice %arg6[%dma_start3A_697, %dma_start3A_707, %dma_start3A_708] : memref<2x8x1024xf32, #tpu.memory_space<vmem>> -> memref<1x8x1024xf32, #tpu.memory_space<vmem>>
        %dma_start3A_710 = tpu.memref_squeeze %dma_start3A_709 : memref<1x8x1024xf32, #tpu.memory_space<vmem>> -> memref<8x1024xf32, #tpu.memory_space<vmem>>
        %dma_start3A_711 = arith.constant 0 : i32
        %dma_start3A_712 = tpu.memref_slice %arg3[%add3A_696, %dma_start3A_711] : memref<8192x1024xf32, #tpu.memory_space<hbm>> -> memref<8x1024xf32, #tpu.memory_space<hbm>>
        tpu.enqueue_dma source(%dma_start3A_712 : memref<8x1024xf32, #tpu.memory_space<hbm>>) target(%dma_start3A_710 : memref<8x1024xf32, #tpu.memory_space<vmem>>) target_semaphore(%dma_start3A_706 : memref<!tpu.dma_semaphore, #tpu.memory_space<semaphore_mem>>)
      } else {
      }
      %dma_wait3A_471 = arith.constant 0 : i32
      %dma_wait3A_472 = arith.constant 4 : i32
      %dma_wait3A_473 = arith.constant 4 : i32
      %dma_wait3A_474 = arith.constant 0 : i32
      %dma_wait3A_475 = arith.constant 0 : i32
      %dma_wait3A_476 = tpu.memref_slice %arg5[%dma_wait3A_472, %dma_wait3A_474, %dma_wait3A_475] : memref<8x8x1024xf32, #tpu.memory_space<vmem>> -> memref<1x8x1024xf32, #tpu.memory_space<vmem>>
      %dma_wait3A_477 = tpu.memref_squeeze %dma_wait3A_476 : memref<1x8x1024xf32, #tpu.memory_space<vmem>> -> memref<8x1024xf32, #tpu.memory_space<vmem>>
      %dma_wait3A_478 = arith.constant 0 : i32
      %dma_wait3A_479 = arith.constant 0 : i32
      %dma_wait3A_480 = tpu.memref_slice %arg2[%dma_wait3A_471, %dma_wait3A_478, %dma_wait3A_479] : memref<4x8192x1024xf32, #tpu.memory_space<hbm>> -> memref<1x8x1024xf32, #tpu.memory_space<hbm>>
      %dma_wait3A_481 = tpu.memref_squeeze %dma_wait3A_480 : memref<1x8x1024xf32, #tpu.memory_space<hbm>> -> memref<8x1024xf32, #tpu.memory_space<hbm>>
      %dma_wait3A_482 = tpu.memref_slice %arg7[%dma_wait3A_473] : memref<8x!tpu.dma_semaphore, #tpu.memory_space<semaphore_mem>> -> memref<1x!tpu.dma_semaphore, #tpu.memory_space<semaphore_mem>>
      %dma_wait3A_483 = tpu.memref_squeeze %dma_wait3A_482 : memref<1x!tpu.dma_semaphore, #tpu.memory_space<semaphore_mem>> -> memref<!tpu.dma_semaphore, #tpu.memory_space<semaphore_mem>>
      %dma_wait3A_484 = arith.constant 0 : i32
      %dma_wait3A_485 = arith.constant 0 : i32
      %dma_wait3A_486 = tpu.memref_slice %arg5[%dma_wait3A_472, %dma_wait3A_484, %dma_wait3A_485] : memref<8x8x1024xf32, #tpu.memory_space<vmem>> -> memref<1x8x1024xf32, #tpu.memory_space<vmem>>
      %dma_wait3A_487 = tpu.memref_squeeze %dma_wait3A_486 : memref<1x8x1024xf32, #tpu.memory_space<vmem>> -> memref<8x1024xf32, #tpu.memory_space<vmem>>
      %dma_wait3A_488 = arith.constant 0 : i32
      %dma_wait3A_489 = arith.constant 0 : i32
      %dma_wait3A_490 = tpu.memref_slice %arg2[%dma_wait3A_471, %dma_wait3A_488, %dma_wait3A_489] : memref<4x8192x1024xf32, #tpu.memory_space<hbm>> -> memref<1x8x1024xf32, #tpu.memory_space<hbm>>
      %dma_wait3A_491 = tpu.memref_squeeze %dma_wait3A_490 : memref<1x8x1024xf32, #tpu.memory_space<hbm>> -> memref<8x1024xf32, #tpu.memory_space<hbm>>
      tpu.wait_dma2 semaphore(%dma_wait3A_483 : memref<!tpu.dma_semaphore, #tpu.memory_space<semaphore_mem>>) src(%dma_wait3A_491 : memref<8x1024xf32, #tpu.memory_space<hbm>>) dst(%dma_wait3A_487 : memref<8x1024xf32, #tpu.memory_space<vmem>>)
      %ge3A_492 = arith.constant 1 : i32
      %ge3A_493 = arith.cmpi sge, %add3A_445, %ge3A_492 : i32
      %convert_element_type3A_494 = arith.extui %ge3A_493 : i1 to i32
      %cond3A_495 = arith.constant 0 : i32
      %cond3A_496 = arith.cmpi ne, %convert_element_type3A_494, %cond3A_495 : i32
      scf.if %cond3A_496 {
        %dma_wait3A_692 = arith.constant 0 : i32
        %dma_wait3A_693 = arith.constant 0 : i32
        %dma_wait3A_694 = arith.constant 0 : i32
        %dma_wait3A_695 = arith.constant 0 : i32
        %dma_wait3A_696 = arith.constant 0 : i32
        %dma_wait3A_697 = tpu.memref_slice %arg5[%dma_wait3A_692, %dma_wait3A_695, %dma_wait3A_696] : memref<8x8x1024xf32, #tpu.memory_space<vmem>> -> memref<1x8x1024xf32, #tpu.memory_space<vmem>>
        %dma_wait3A_698 = tpu.memref_squeeze %dma_wait3A_697 : memref<1x8x1024xf32, #tpu.memory_space<vmem>> -> memref<8x1024xf32, #tpu.memory_space<vmem>>
        %dma_wait3A_699 = arith.constant 0 : i32
        %dma_wait3A_700 = arith.constant 0 : i32
        %dma_wait3A_701 = tpu.memref_slice %arg4[%dma_wait3A_693, %dma_wait3A_699, %dma_wait3A_700] : memref<4x8192x1024xf32, #tpu.memory_space<hbm>> -> memref<1x8x1024xf32, #tpu.memory_space<hbm>>
        %dma_wait3A_702 = tpu.memref_squeeze %dma_wait3A_701 : memref<1x8x1024xf32, #tpu.memory_space<hbm>> -> memref<8x1024xf32, #tpu.memory_space<hbm>>
        %dma_wait3A_703 = tpu.memref_slice %arg8[%dma_wait3A_694] : memref<8x!tpu.dma_semaphore, #tpu.memory_space<semaphore_mem>> -> memref<1x!tpu.dma_semaphore, #tpu.memory_space<semaphore_mem>>
        %dma_wait3A_704 = tpu.memref_squeeze %dma_wait3A_703 : memref<1x!tpu.dma_semaphore, #tpu.memory_space<semaphore_mem>> -> memref<!tpu.dma_semaphore, #tpu.memory_space<semaphore_mem>>
        %dma_wait3A_705 = arith.constant 0 : i32
        %dma_wait3A_706 = arith.constant 0 : i32
        %dma_wait3A_707 = tpu.memref_slice %arg4[%dma_wait3A_693, %dma_wait3A_705, %dma_wait3A_706] : memref<4x8192x1024xf32, #tpu.memory_space<hbm>> -> memref<1x8x1024xf32, #tpu.memory_space<hbm>>
        %dma_wait3A_708 = tpu.memref_squeeze %dma_wait3A_707 : memref<1x8x1024xf32, #tpu.memory_space<hbm>> -> memref<8x1024xf32, #tpu.memory_space<hbm>>
        %dma_wait3A_709 = arith.constant 0 : i32
        %dma_wait3A_710 = arith.constant 0 : i32
        %dma_wait3A_711 = tpu.memref_slice %arg5[%dma_wait3A_692, %dma_wait3A_709, %dma_wait3A_710] : memref<8x8x1024xf32, #tpu.memory_space<vmem>> -> memref<1x8x1024xf32, #tpu.memory_space<vmem>>
        %dma_wait3A_712 = tpu.memref_squeeze %dma_wait3A_711 : memref<1x8x1024xf32, #tpu.memory_space<vmem>> -> memref<8x1024xf32, #tpu.memory_space<vmem>>
        tpu.wait_dma2 semaphore(%dma_wait3A_704 : memref<!tpu.dma_semaphore, #tpu.memory_space<semaphore_mem>>) src(%dma_wait3A_712 : memref<8x1024xf32, #tpu.memory_space<vmem>>) dst(%dma_wait3A_708 : memref<8x1024xf32, #tpu.memory_space<hbm>>)
      } else {
      }
      %add3A_497 = arith.constant 1 : i32
      %add3A_498 = arith.addi %add3A_445, %add3A_497 : i32
      %lt3A_499 = arith.constant 32 : i32
      %lt3A_500 = arith.cmpi slt, %add3A_498, %lt3A_499 : i32
      %convert_element_type3A_501 = arith.extui %lt3A_500 : i1 to i32
      %cond3A_502 = arith.constant 0 : i32
      %cond3A_503 = arith.cmpi ne, %convert_element_type3A_501, %cond3A_502 : i32
      scf.if %cond3A_503 {
        %add3A_692 = arith.constant 1 : i32
        %add3A_693 = arith.addi %add3A_445, %add3A_692 : i32
        %mul3A_694 = arith.constant 8 : i32
        %mul3A_695 = arith.muli %add3A_693, %mul3A_694 : i32
        %add3A_696 = arith.addi %add3A_4, %mul3A_695 : i32
        %dma_start3A_697 = arith.constant 0 : i32
        %dma_start3A_698 = arith.constant 0 : i32
        %dma_start3A_699 = arith.constant 0 : i32
        %dma_start3A_700 = arith.constant 0 : i32
        %dma_start3A_701 = arith.constant 0 : i32
        %dma_start3A_702 = tpu.memref_slice %arg5[%dma_start3A_698, %dma_start3A_700, %dma_start3A_701] : memref<8x8x1024xf32, #tpu.memory_space<vmem>> -> memref<1x8x1024xf32, #tpu.memory_space<vmem>>
        %dma_start3A_703 = tpu.memref_squeeze %dma_start3A_702 : memref<1x8x1024xf32, #tpu.memory_space<vmem>> -> memref<8x1024xf32, #tpu.memory_space<vmem>>
        %dma_start3A_704 = arith.constant 0 : i32
        %dma_start3A_705 = tpu.memref_slice %arg2[%dma_start3A_697, %add3A_696, %dma_start3A_704] : memref<4x8192x1024xf32, #tpu.memory_space<hbm>> -> memref<1x8x1024xf32, #tpu.memory_space<hbm>>
        %dma_start3A_706 = tpu.memref_squeeze %dma_start3A_705 : memref<1x8x1024xf32, #tpu.memory_space<hbm>> -> memref<8x1024xf32, #tpu.memory_space<hbm>>
        %dma_start3A_707 = tpu.memref_slice %arg7[%dma_start3A_699] : memref<8x!tpu.dma_semaphore, #tpu.memory_space<semaphore_mem>> -> memref<1x!tpu.dma_semaphore, #tpu.memory_space<semaphore_mem>>
        %dma_start3A_708 = tpu.memref_squeeze %dma_start3A_707 : memref<1x!tpu.dma_semaphore, #tpu.memory_space<semaphore_mem>> -> memref<!tpu.dma_semaphore, #tpu.memory_space<semaphore_mem>>
        %dma_start3A_709 = arith.constant 0 : i32
        %dma_start3A_710 = arith.constant 0 : i32
        %dma_start3A_711 = tpu.memref_slice %arg5[%dma_start3A_698, %dma_start3A_709, %dma_start3A_710] : memref<8x8x1024xf32, #tpu.memory_space<vmem>> -> memref<1x8x1024xf32, #tpu.memory_space<vmem>>
        %dma_start3A_712 = tpu.memref_squeeze %dma_start3A_711 : memref<1x8x1024xf32, #tpu.memory_space<vmem>> -> memref<8x1024xf32, #tpu.memory_space<vmem>>
        %dma_start3A_713 = arith.constant 0 : i32
        %dma_start3A_714 = tpu.memref_slice %arg2[%dma_start3A_697, %add3A_696, %dma_start3A_713] : memref<4x8192x1024xf32, #tpu.memory_space<hbm>> -> memref<1x8x1024xf32, #tpu.memory_space<hbm>>
        %dma_start3A_715 = tpu.memref_squeeze %dma_start3A_714 : memref<1x8x1024xf32, #tpu.memory_space<hbm>> -> memref<8x1024xf32, #tpu.memory_space<hbm>>
        tpu.enqueue_dma source(%dma_start3A_715 : memref<8x1024xf32, #tpu.memory_space<hbm>>) target(%dma_start3A_712 : memref<8x1024xf32, #tpu.memory_space<vmem>>) target_semaphore(%dma_start3A_708 : memref<!tpu.dma_semaphore, #tpu.memory_space<semaphore_mem>>)
      } else {
      }
      %mul3A_504 = arith.constant 8 : i32
      %mul3A_505 = arith.muli %add3A_445, %mul3A_504 : i32
      %add3A_506 = arith.addi %mul3A_6, %mul3A_505 : i32
      %dma_start3A_507 = arith.constant 4 : i32
      %dma_start3A_508 = arith.constant 0 : i32
      %dma_start3A_509 = arith.constant 4 : i32
      %dma_start3A_510 = arith.constant 0 : i32
      %dma_start3A_511 = arith.constant 0 : i32
      %dma_start3A_512 = tpu.memref_slice %arg5[%dma_start3A_507, %dma_start3A_510, %dma_start3A_511] : memref<8x8x1024xf32, #tpu.memory_space<vmem>> -> memref<1x8x1024xf32, #tpu.memory_space<vmem>>
      %dma_start3A_513 = tpu.memref_squeeze %dma_start3A_512 : memref<1x8x1024xf32, #tpu.memory_space<vmem>> -> memref<8x1024xf32, #tpu.memory_space<vmem>>
      %dma_start3A_514 = arith.constant 0 : i32
      %dma_start3A_515 = tpu.memref_slice %arg4[%dma_start3A_508, %add3A_506, %dma_start3A_514] : memref<4x8192x1024xf32, #tpu.memory_space<hbm>> -> memref<1x8x1024xf32, #tpu.memory_space<hbm>>
      %dma_start3A_516 = tpu.memref_squeeze %dma_start3A_515 : memref<1x8x1024xf32, #tpu.memory_space<hbm>> -> memref<8x1024xf32, #tpu.memory_space<hbm>>
      %dma_start3A_517 = tpu.memref_slice %arg8[%dma_start3A_509] : memref<8x!tpu.dma_semaphore, #tpu.memory_space<semaphore_mem>> -> memref<1x!tpu.dma_semaphore, #tpu.memory_space<semaphore_mem>>
      %dma_start3A_518 = tpu.memref_squeeze %dma_start3A_517 : memref<1x!tpu.dma_semaphore, #tpu.memory_space<semaphore_mem>> -> memref<!tpu.dma_semaphore, #tpu.memory_space<semaphore_mem>>
      %dma_start3A_519 = arith.constant 0 : i32
      %dma_start3A_520 = tpu.memref_slice %arg4[%dma_start3A_508, %add3A_506, %dma_start3A_519] : memref<4x8192x1024xf32, #tpu.memory_space<hbm>> -> memref<1x8x1024xf32, #tpu.memory_space<hbm>>
      %dma_start3A_521 = tpu.memref_squeeze %dma_start3A_520 : memref<1x8x1024xf32, #tpu.memory_space<hbm>> -> memref<8x1024xf32, #tpu.memory_space<hbm>>
      %dma_start3A_522 = arith.constant 0 : i32
      %dma_start3A_523 = arith.constant 0 : i32
      %dma_start3A_524 = tpu.memref_slice %arg5[%dma_start3A_507, %dma_start3A_522, %dma_start3A_523] : memref<8x8x1024xf32, #tpu.memory_space<vmem>> -> memref<1x8x1024xf32, #tpu.memory_space<vmem>>
      %dma_start3A_525 = tpu.memref_squeeze %dma_start3A_524 : memref<1x8x1024xf32, #tpu.memory_space<vmem>> -> memref<8x1024xf32, #tpu.memory_space<vmem>>
      tpu.enqueue_dma source(%dma_start3A_525 : memref<8x1024xf32, #tpu.memory_space<vmem>>) target(%dma_start3A_521 : memref<8x1024xf32, #tpu.memory_space<hbm>>) target_semaphore(%dma_start3A_518 : memref<!tpu.dma_semaphore, #tpu.memory_space<semaphore_mem>>)
      %dma_wait3A_526 = arith.constant 0 : i32
      %dma_wait3A_527 = arith.constant 5 : i32
      %dma_wait3A_528 = arith.constant 5 : i32
      %dma_wait3A_529 = arith.constant 0 : i32
      %dma_wait3A_530 = arith.constant 0 : i32
      %dma_wait3A_531 = tpu.memref_slice %arg5[%dma_wait3A_527, %dma_wait3A_529, %dma_wait3A_530] : memref<8x8x1024xf32, #tpu.memory_space<vmem>> -> memref<1x8x1024xf32, #tpu.memory_space<vmem>>
      %dma_wait3A_532 = tpu.memref_squeeze %dma_wait3A_531 : memref<1x8x1024xf32, #tpu.memory_space<vmem>> -> memref<8x1024xf32, #tpu.memory_space<vmem>>
      %dma_wait3A_533 = arith.constant 0 : i32
      %dma_wait3A_534 = arith.constant 0 : i32
      %dma_wait3A_535 = tpu.memref_slice %arg2[%dma_wait3A_526, %dma_wait3A_533, %dma_wait3A_534] : memref<4x8192x1024xf32, #tpu.memory_space<hbm>> -> memref<1x8x1024xf32, #tpu.memory_space<hbm>>
      %dma_wait3A_536 = tpu.memref_squeeze %dma_wait3A_535 : memref<1x8x1024xf32, #tpu.memory_space<hbm>> -> memref<8x1024xf32, #tpu.memory_space<hbm>>
      %dma_wait3A_537 = tpu.memref_slice %arg7[%dma_wait3A_528] : memref<8x!tpu.dma_semaphore, #tpu.memory_space<semaphore_mem>> -> memref<1x!tpu.dma_semaphore, #tpu.memory_space<semaphore_mem>>
      %dma_wait3A_538 = tpu.memref_squeeze %dma_wait3A_537 : memref<1x!tpu.dma_semaphore, #tpu.memory_space<semaphore_mem>> -> memref<!tpu.dma_semaphore, #tpu.memory_space<semaphore_mem>>
      %dma_wait3A_539 = arith.constant 0 : i32
      %dma_wait3A_540 = arith.constant 0 : i32
      %dma_wait3A_541 = tpu.memref_slice %arg5[%dma_wait3A_527, %dma_wait3A_539, %dma_wait3A_540] : memref<8x8x1024xf32, #tpu.memory_space<vmem>> -> memref<1x8x1024xf32, #tpu.memory_space<vmem>>
      %dma_wait3A_542 = tpu.memref_squeeze %dma_wait3A_541 : memref<1x8x1024xf32, #tpu.memory_space<vmem>> -> memref<8x1024xf32, #tpu.memory_space<vmem>>
      %dma_wait3A_543 = arith.constant 0 : i32
      %dma_wait3A_544 = arith.constant 0 : i32
      %dma_wait3A_545 = tpu.memref_slice %arg2[%dma_wait3A_526, %dma_wait3A_543, %dma_wait3A_544] : memref<4x8192x1024xf32, #tpu.memory_space<hbm>> -> memref<1x8x1024xf32, #tpu.memory_space<hbm>>
      %dma_wait3A_546 = tpu.memref_squeeze %dma_wait3A_545 : memref<1x8x1024xf32, #tpu.memory_space<hbm>> -> memref<8x1024xf32, #tpu.memory_space<hbm>>
      tpu.wait_dma2 semaphore(%dma_wait3A_538 : memref<!tpu.dma_semaphore, #tpu.memory_space<semaphore_mem>>) src(%dma_wait3A_546 : memref<8x1024xf32, #tpu.memory_space<hbm>>) dst(%dma_wait3A_542 : memref<8x1024xf32, #tpu.memory_space<vmem>>)
      %ge3A_547 = arith.constant 1 : i32
      %ge3A_548 = arith.cmpi sge, %add3A_445, %ge3A_547 : i32
      %convert_element_type3A_549 = arith.extui %ge3A_548 : i1 to i32
      %cond3A_550 = arith.constant 0 : i32
      %cond3A_551 = arith.cmpi ne, %convert_element_type3A_549, %cond3A_550 : i32
      scf.if %cond3A_551 {
        %dma_wait3A_692 = arith.constant 1 : i32
        %dma_wait3A_693 = arith.constant 0 : i32
        %dma_wait3A_694 = arith.constant 1 : i32
        %dma_wait3A_695 = arith.constant 0 : i32
        %dma_wait3A_696 = arith.constant 0 : i32
        %dma_wait3A_697 = tpu.memref_slice %arg5[%dma_wait3A_692, %dma_wait3A_695, %dma_wait3A_696] : memref<8x8x1024xf32, #tpu.memory_space<vmem>> -> memref<1x8x1024xf32, #tpu.memory_space<vmem>>
        %dma_wait3A_698 = tpu.memref_squeeze %dma_wait3A_697 : memref<1x8x1024xf32, #tpu.memory_space<vmem>> -> memref<8x1024xf32, #tpu.memory_space<vmem>>
        %dma_wait3A_699 = arith.constant 0 : i32
        %dma_wait3A_700 = arith.constant 0 : i32
        %dma_wait3A_701 = tpu.memref_slice %arg4[%dma_wait3A_693, %dma_wait3A_699, %dma_wait3A_700] : memref<4x8192x1024xf32, #tpu.memory_space<hbm>> -> memref<1x8x1024xf32, #tpu.memory_space<hbm>>
        %dma_wait3A_702 = tpu.memref_squeeze %dma_wait3A_701 : memref<1x8x1024xf32, #tpu.memory_space<hbm>> -> memref<8x1024xf32, #tpu.memory_space<hbm>>
        %dma_wait3A_703 = tpu.memref_slice %arg8[%dma_wait3A_694] : memref<8x!tpu.dma_semaphore, #tpu.memory_space<semaphore_mem>> -> memref<1x!tpu.dma_semaphore, #tpu.memory_space<semaphore_mem>>
        %dma_wait3A_704 = tpu.memref_squeeze %dma_wait3A_703 : memref<1x!tpu.dma_semaphore, #tpu.memory_space<semaphore_mem>> -> memref<!tpu.dma_semaphore, #tpu.memory_space<semaphore_mem>>
        %dma_wait3A_705 = arith.constant 0 : i32
        %dma_wait3A_706 = arith.constant 0 : i32
        %dma_wait3A_707 = tpu.memref_slice %arg4[%dma_wait3A_693, %dma_wait3A_705, %dma_wait3A_706] : memref<4x8192x1024xf32, #tpu.memory_space<hbm>> -> memref<1x8x1024xf32, #tpu.memory_space<hbm>>
        %dma_wait3A_708 = tpu.memref_squeeze %dma_wait3A_707 : memref<1x8x1024xf32, #tpu.memory_space<hbm>> -> memref<8x1024xf32, #tpu.memory_space<hbm>>
        %dma_wait3A_709 = arith.constant 0 : i32
        %dma_wait3A_710 = arith.constant 0 : i32
        %dma_wait3A_711 = tpu.memref_slice %arg5[%dma_wait3A_692, %dma_wait3A_709, %dma_wait3A_710] : memref<8x8x1024xf32, #tpu.memory_space<vmem>> -> memref<1x8x1024xf32, #tpu.memory_space<vmem>>
        %dma_wait3A_712 = tpu.memref_squeeze %dma_wait3A_711 : memref<1x8x1024xf32, #tpu.memory_space<vmem>> -> memref<8x1024xf32, #tpu.memory_space<vmem>>
        tpu.wait_dma2 semaphore(%dma_wait3A_704 : memref<!tpu.dma_semaphore, #tpu.memory_space<semaphore_mem>>) src(%dma_wait3A_712 : memref<8x1024xf32, #tpu.memory_space<vmem>>) dst(%dma_wait3A_708 : memref<8x1024xf32, #tpu.memory_space<hbm>>)
      } else {
      }
      %add3A_552 = arith.constant 1 : i32
      %add3A_553 = arith.addi %add3A_445, %add3A_552 : i32
      %lt3A_554 = arith.constant 32 : i32
      %lt3A_555 = arith.cmpi slt, %add3A_553, %lt3A_554 : i32
      %convert_element_type3A_556 = arith.extui %lt3A_555 : i1 to i32
      %cond3A_557 = arith.constant 0 : i32
      %cond3A_558 = arith.cmpi ne, %convert_element_type3A_556, %cond3A_557 : i32
      scf.if %cond3A_558 {
        %add3A_692 = arith.constant 1 : i32
        %add3A_693 = arith.addi %add3A_445, %add3A_692 : i32
        %mul3A_694 = arith.constant 8 : i32
        %mul3A_695 = arith.muli %add3A_693, %mul3A_694 : i32
        %add3A_696 = arith.addi %add3A_4, %mul3A_695 : i32
        %dma_start3A_697 = arith.constant 1 : i32
        %dma_start3A_698 = arith.constant 1 : i32
        %dma_start3A_699 = arith.constant 1 : i32
        %dma_start3A_700 = arith.constant 0 : i32
        %dma_start3A_701 = arith.constant 0 : i32
        %dma_start3A_702 = tpu.memref_slice %arg5[%dma_start3A_698, %dma_start3A_700, %dma_start3A_701] : memref<8x8x1024xf32, #tpu.memory_space<vmem>> -> memref<1x8x1024xf32, #tpu.memory_space<vmem>>
        %dma_start3A_703 = tpu.memref_squeeze %dma_start3A_702 : memref<1x8x1024xf32, #tpu.memory_space<vmem>> -> memref<8x1024xf32, #tpu.memory_space<vmem>>
        %dma_start3A_704 = arith.constant 0 : i32
        %dma_start3A_705 = tpu.memref_slice %arg2[%dma_start3A_697, %add3A_696, %dma_start3A_704] : memref<4x8192x1024xf32, #tpu.memory_space<hbm>> -> memref<1x8x1024xf32, #tpu.memory_space<hbm>>
        %dma_start3A_706 = tpu.memref_squeeze %dma_start3A_705 : memref<1x8x1024xf32, #tpu.memory_space<hbm>> -> memref<8x1024xf32, #tpu.memory_space<hbm>>
        %dma_start3A_707 = tpu.memref_slice %arg7[%dma_start3A_699] : memref<8x!tpu.dma_semaphore, #tpu.memory_space<semaphore_mem>> -> memref<1x!tpu.dma_semaphore, #tpu.memory_space<semaphore_mem>>
        %dma_start3A_708 = tpu.memref_squeeze %dma_start3A_707 : memref<1x!tpu.dma_semaphore, #tpu.memory_space<semaphore_mem>> -> memref<!tpu.dma_semaphore, #tpu.memory_space<semaphore_mem>>
        %dma_start3A_709 = arith.constant 0 : i32
        %dma_start3A_710 = arith.constant 0 : i32
        %dma_start3A_711 = tpu.memref_slice %arg5[%dma_start3A_698, %dma_start3A_709, %dma_start3A_710] : memref<8x8x1024xf32, #tpu.memory_space<vmem>> -> memref<1x8x1024xf32, #tpu.memory_space<vmem>>
        %dma_start3A_712 = tpu.memref_squeeze %dma_start3A_711 : memref<1x8x1024xf32, #tpu.memory_space<vmem>> -> memref<8x1024xf32, #tpu.memory_space<vmem>>
        %dma_start3A_713 = arith.constant 0 : i32
        %dma_start3A_714 = tpu.memref_slice %arg2[%dma_start3A_697, %add3A_696, %dma_start3A_713] : memref<4x8192x1024xf32, #tpu.memory_space<hbm>> -> memref<1x8x1024xf32, #tpu.memory_space<hbm>>
        %dma_start3A_715 = tpu.memref_squeeze %dma_start3A_714 : memref<1x8x1024xf32, #tpu.memory_space<hbm>> -> memref<8x1024xf32, #tpu.memory_space<hbm>>
        tpu.enqueue_dma source(%dma_start3A_715 : memref<8x1024xf32, #tpu.memory_space<hbm>>) target(%dma_start3A_712 : memref<8x1024xf32, #tpu.memory_space<vmem>>) target_semaphore(%dma_start3A_708 : memref<!tpu.dma_semaphore, #tpu.memory_space<semaphore_mem>>)
      } else {
      }
      %mul3A_559 = arith.constant 8 : i32
      %mul3A_560 = arith.muli %add3A_445, %mul3A_559 : i32
      %add3A_561 = arith.addi %mul3A_6, %mul3A_560 : i32
      %dma_start3A_562 = arith.constant 5 : i32
      %dma_start3A_563 = arith.constant 1 : i32
      %dma_start3A_564 = arith.constant 5 : i32
      %dma_start3A_565 = arith.constant 0 : i32
      %dma_start3A_566 = arith.constant 0 : i32
      %dma_start3A_567 = tpu.memref_slice %arg5[%dma_start3A_562, %dma_start3A_565, %dma_start3A_566] : memref<8x8x1024xf32, #tpu.memory_space<vmem>> -> memref<1x8x1024xf32, #tpu.memory_space<vmem>>
      %dma_start3A_568 = tpu.memref_squeeze %dma_start3A_567 : memref<1x8x1024xf32, #tpu.memory_space<vmem>> -> memref<8x1024xf32, #tpu.memory_space<vmem>>
      %dma_start3A_569 = arith.constant 0 : i32
      %dma_start3A_570 = tpu.memref_slice %arg4[%dma_start3A_563, %add3A_561, %dma_start3A_569] : memref<4x8192x1024xf32, #tpu.memory_space<hbm>> -> memref<1x8x1024xf32, #tpu.memory_space<hbm>>
      %dma_start3A_571 = tpu.memref_squeeze %dma_start3A_570 : memref<1x8x1024xf32, #tpu.memory_space<hbm>> -> memref<8x1024xf32, #tpu.memory_space<hbm>>
      %dma_start3A_572 = tpu.memref_slice %arg8[%dma_start3A_564] : memref<8x!tpu.dma_semaphore, #tpu.memory_space<semaphore_mem>> -> memref<1x!tpu.dma_semaphore, #tpu.memory_space<semaphore_mem>>
      %dma_start3A_573 = tpu.memref_squeeze %dma_start3A_572 : memref<1x!tpu.dma_semaphore, #tpu.memory_space<semaphore_mem>> -> memref<!tpu.dma_semaphore, #tpu.memory_space<semaphore_mem>>
      %dma_start3A_574 = arith.constant 0 : i32
      %dma_start3A_575 = tpu.memref_slice %arg4[%dma_start3A_563, %add3A_561, %dma_start3A_574] : memref<4x8192x1024xf32, #tpu.memory_space<hbm>> -> memref<1x8x1024xf32, #tpu.memory_space<hbm>>
      %dma_start3A_576 = tpu.memref_squeeze %dma_start3A_575 : memref<1x8x1024xf32, #tpu.memory_space<hbm>> -> memref<8x1024xf32, #tpu.memory_space<hbm>>
      %dma_start3A_577 = arith.constant 0 : i32
      %dma_start3A_578 = arith.constant 0 : i32
      %dma_start3A_579 = tpu.memref_slice %arg5[%dma_start3A_562, %dma_start3A_577, %dma_start3A_578] : memref<8x8x1024xf32, #tpu.memory_space<vmem>> -> memref<1x8x1024xf32, #tpu.memory_space<vmem>>
      %dma_start3A_580 = tpu.memref_squeeze %dma_start3A_579 : memref<1x8x1024xf32, #tpu.memory_space<vmem>> -> memref<8x1024xf32, #tpu.memory_space<vmem>>
      tpu.enqueue_dma source(%dma_start3A_580 : memref<8x1024xf32, #tpu.memory_space<vmem>>) target(%dma_start3A_576 : memref<8x1024xf32, #tpu.memory_space<hbm>>) target_semaphore(%dma_start3A_573 : memref<!tpu.dma_semaphore, #tpu.memory_space<semaphore_mem>>)
      %dma_wait3A_581 = arith.constant 0 : i32
      %dma_wait3A_582 = arith.constant 6 : i32
      %dma_wait3A_583 = arith.constant 6 : i32
      %dma_wait3A_584 = arith.constant 0 : i32
      %dma_wait3A_585 = arith.constant 0 : i32
      %dma_wait3A_586 = tpu.memref_slice %arg5[%dma_wait3A_582, %dma_wait3A_584, %dma_wait3A_585] : memref<8x8x1024xf32, #tpu.memory_space<vmem>> -> memref<1x8x1024xf32, #tpu.memory_space<vmem>>
      %dma_wait3A_587 = tpu.memref_squeeze %dma_wait3A_586 : memref<1x8x1024xf32, #tpu.memory_space<vmem>> -> memref<8x1024xf32, #tpu.memory_space<vmem>>
      %dma_wait3A_588 = arith.constant 0 : i32
      %dma_wait3A_589 = arith.constant 0 : i32
      %dma_wait3A_590 = tpu.memref_slice %arg2[%dma_wait3A_581, %dma_wait3A_588, %dma_wait3A_589] : memref<4x8192x1024xf32, #tpu.memory_space<hbm>> -> memref<1x8x1024xf32, #tpu.memory_space<hbm>>
      %dma_wait3A_591 = tpu.memref_squeeze %dma_wait3A_590 : memref<1x8x1024xf32, #tpu.memory_space<hbm>> -> memref<8x1024xf32, #tpu.memory_space<hbm>>
      %dma_wait3A_592 = tpu.memref_slice %arg7[%dma_wait3A_583] : memref<8x!tpu.dma_semaphore, #tpu.memory_space<semaphore_mem>> -> memref<1x!tpu.dma_semaphore, #tpu.memory_space<semaphore_mem>>
      %dma_wait3A_593 = tpu.memref_squeeze %dma_wait3A_592 : memref<1x!tpu.dma_semaphore, #tpu.memory_space<semaphore_mem>> -> memref<!tpu.dma_semaphore, #tpu.memory_space<semaphore_mem>>
      %dma_wait3A_594 = arith.constant 0 : i32
      %dma_wait3A_595 = arith.constant 0 : i32
      %dma_wait3A_596 = tpu.memref_slice %arg5[%dma_wait3A_582, %dma_wait3A_594, %dma_wait3A_595] : memref<8x8x1024xf32, #tpu.memory_space<vmem>> -> memref<1x8x1024xf32, #tpu.memory_space<vmem>>
      %dma_wait3A_597 = tpu.memref_squeeze %dma_wait3A_596 : memref<1x8x1024xf32, #tpu.memory_space<vmem>> -> memref<8x1024xf32, #tpu.memory_space<vmem>>
      %dma_wait3A_598 = arith.constant 0 : i32
      %dma_wait3A_599 = arith.constant 0 : i32
      %dma_wait3A_600 = tpu.memref_slice %arg2[%dma_wait3A_581, %dma_wait3A_598, %dma_wait3A_599] : memref<4x8192x1024xf32, #tpu.memory_space<hbm>> -> memref<1x8x1024xf32, #tpu.memory_space<hbm>>
      %dma_wait3A_601 = tpu.memref_squeeze %dma_wait3A_600 : memref<1x8x1024xf32, #tpu.memory_space<hbm>> -> memref<8x1024xf32, #tpu.memory_space<hbm>>
      tpu.wait_dma2 semaphore(%dma_wait3A_593 : memref<!tpu.dma_semaphore, #tpu.memory_space<semaphore_mem>>) src(%dma_wait3A_601 : memref<8x1024xf32, #tpu.memory_space<hbm>>) dst(%dma_wait3A_597 : memref<8x1024xf32, #tpu.memory_space<vmem>>)
      %ge3A_602 = arith.constant 1 : i32
      %ge3A_603 = arith.cmpi sge, %add3A_445, %ge3A_602 : i32
      %convert_element_type3A_604 = arith.extui %ge3A_603 : i1 to i32
      %cond3A_605 = arith.constant 0 : i32
      %cond3A_606 = arith.cmpi ne, %convert_element_type3A_604, %cond3A_605 : i32
      scf.if %cond3A_606 {
        %dma_wait3A_692 = arith.constant 2 : i32
        %dma_wait3A_693 = arith.constant 0 : i32
        %dma_wait3A_694 = arith.constant 2 : i32
        %dma_wait3A_695 = arith.constant 0 : i32
        %dma_wait3A_696 = arith.constant 0 : i32
        %dma_wait3A_697 = tpu.memref_slice %arg5[%dma_wait3A_692, %dma_wait3A_695, %dma_wait3A_696] : memref<8x8x1024xf32, #tpu.memory_space<vmem>> -> memref<1x8x1024xf32, #tpu.memory_space<vmem>>
        %dma_wait3A_698 = tpu.memref_squeeze %dma_wait3A_697 : memref<1x8x1024xf32, #tpu.memory_space<vmem>> -> memref<8x1024xf32, #tpu.memory_space<vmem>>
        %dma_wait3A_699 = arith.constant 0 : i32
        %dma_wait3A_700 = arith.constant 0 : i32
        %dma_wait3A_701 = tpu.memref_slice %arg4[%dma_wait3A_693, %dma_wait3A_699, %dma_wait3A_700] : memref<4x8192x1024xf32, #tpu.memory_space<hbm>> -> memref<1x8x1024xf32, #tpu.memory_space<hbm>>
        %dma_wait3A_702 = tpu.memref_squeeze %dma_wait3A_701 : memref<1x8x1024xf32, #tpu.memory_space<hbm>> -> memref<8x1024xf32, #tpu.memory_space<hbm>>
        %dma_wait3A_703 = tpu.memref_slice %arg8[%dma_wait3A_694] : memref<8x!tpu.dma_semaphore, #tpu.memory_space<semaphore_mem>> -> memref<1x!tpu.dma_semaphore, #tpu.memory_space<semaphore_mem>>
        %dma_wait3A_704 = tpu.memref_squeeze %dma_wait3A_703 : memref<1x!tpu.dma_semaphore, #tpu.memory_space<semaphore_mem>> -> memref<!tpu.dma_semaphore, #tpu.memory_space<semaphore_mem>>
        %dma_wait3A_705 = arith.constant 0 : i32
        %dma_wait3A_706 = arith.constant 0 : i32
        %dma_wait3A_707 = tpu.memref_slice %arg4[%dma_wait3A_693, %dma_wait3A_705, %dma_wait3A_706] : memref<4x8192x1024xf32, #tpu.memory_space<hbm>> -> memref<1x8x1024xf32, #tpu.memory_space<hbm>>
        %dma_wait3A_708 = tpu.memref_squeeze %dma_wait3A_707 : memref<1x8x1024xf32, #tpu.memory_space<hbm>> -> memref<8x1024xf32, #tpu.memory_space<hbm>>
        %dma_wait3A_709 = arith.constant 0 : i32
        %dma_wait3A_710 = arith.constant 0 : i32
        %dma_wait3A_711 = tpu.memref_slice %arg5[%dma_wait3A_692, %dma_wait3A_709, %dma_wait3A_710] : memref<8x8x1024xf32, #tpu.memory_space<vmem>> -> memref<1x8x1024xf32, #tpu.memory_space<vmem>>
        %dma_wait3A_712 = tpu.memref_squeeze %dma_wait3A_711 : memref<1x8x1024xf32, #tpu.memory_space<vmem>> -> memref<8x1024xf32, #tpu.memory_space<vmem>>
        tpu.wait_dma2 semaphore(%dma_wait3A_704 : memref<!tpu.dma_semaphore, #tpu.memory_space<semaphore_mem>>) src(%dma_wait3A_712 : memref<8x1024xf32, #tpu.memory_space<vmem>>) dst(%dma_wait3A_708 : memref<8x1024xf32, #tpu.memory_space<hbm>>)
      } else {
      }
      %add3A_607 = arith.constant 1 : i32
      %add3A_608 = arith.addi %add3A_445, %add3A_607 : i32
      %lt3A_609 = arith.constant 32 : i32
      %lt3A_610 = arith.cmpi slt, %add3A_608, %lt3A_609 : i32
      %convert_element_type3A_611 = arith.extui %lt3A_610 : i1 to i32
      %cond3A_612 = arith.constant 0 : i32
      %cond3A_613 = arith.cmpi ne, %convert_element_type3A_611, %cond3A_612 : i32
      scf.if %cond3A_613 {
        %add3A_692 = arith.constant 1 : i32
        %add3A_693 = arith.addi %add3A_445, %add3A_692 : i32
        %mul3A_694 = arith.constant 8 : i32
        %mul3A_695 = arith.muli %add3A_693, %mul3A_694 : i32
        %add3A_696 = arith.addi %add3A_4, %mul3A_695 : i32
        %dma_start3A_697 = arith.constant 2 : i32
        %dma_start3A_698 = arith.constant 2 : i32
        %dma_start3A_699 = arith.constant 2 : i32
        %dma_start3A_700 = arith.constant 0 : i32
        %dma_start3A_701 = arith.constant 0 : i32
        %dma_start3A_702 = tpu.memref_slice %arg5[%dma_start3A_698, %dma_start3A_700, %dma_start3A_701] : memref<8x8x1024xf32, #tpu.memory_space<vmem>> -> memref<1x8x1024xf32, #tpu.memory_space<vmem>>
        %dma_start3A_703 = tpu.memref_squeeze %dma_start3A_702 : memref<1x8x1024xf32, #tpu.memory_space<vmem>> -> memref<8x1024xf32, #tpu.memory_space<vmem>>
        %dma_start3A_704 = arith.constant 0 : i32
        %dma_start3A_705 = tpu.memref_slice %arg2[%dma_start3A_697, %add3A_696, %dma_start3A_704] : memref<4x8192x1024xf32, #tpu.memory_space<hbm>> -> memref<1x8x1024xf32, #tpu.memory_space<hbm>>
        %dma_start3A_706 = tpu.memref_squeeze %dma_start3A_705 : memref<1x8x1024xf32, #tpu.memory_space<hbm>> -> memref<8x1024xf32, #tpu.memory_space<hbm>>
        %dma_start3A_707 = tpu.memref_slice %arg7[%dma_start3A_699] : memref<8x!tpu.dma_semaphore, #tpu.memory_space<semaphore_mem>> -> memref<1x!tpu.dma_semaphore, #tpu.memory_space<semaphore_mem>>
        %dma_start3A_708 = tpu.memref_squeeze %dma_start3A_707 : memref<1x!tpu.dma_semaphore, #tpu.memory_space<semaphore_mem>> -> memref<!tpu.dma_semaphore, #tpu.memory_space<semaphore_mem>>
        %dma_start3A_709 = arith.constant 0 : i32
        %dma_start3A_710 = arith.constant 0 : i32
        %dma_start3A_711 = tpu.memref_slice %arg5[%dma_start3A_698, %dma_start3A_709, %dma_start3A_710] : memref<8x8x1024xf32, #tpu.memory_space<vmem>> -> memref<1x8x1024xf32, #tpu.memory_space<vmem>>
        %dma_start3A_712 = tpu.memref_squeeze %dma_start3A_711 : memref<1x8x1024xf32, #tpu.memory_space<vmem>> -> memref<8x1024xf32, #tpu.memory_space<vmem>>
        %dma_start3A_713 = arith.constant 0 : i32
        %dma_start3A_714 = tpu.memref_slice %arg2[%dma_start3A_697, %add3A_696, %dma_start3A_713] : memref<4x8192x1024xf32, #tpu.memory_space<hbm>> -> memref<1x8x1024xf32, #tpu.memory_space<hbm>>
        %dma_start3A_715 = tpu.memref_squeeze %dma_start3A_714 : memref<1x8x1024xf32, #tpu.memory_space<hbm>> -> memref<8x1024xf32, #tpu.memory_space<hbm>>
        tpu.enqueue_dma source(%dma_start3A_715 : memref<8x1024xf32, #tpu.memory_space<hbm>>) target(%dma_start3A_712 : memref<8x1024xf32, #tpu.memory_space<vmem>>) target_semaphore(%dma_start3A_708 : memref<!tpu.dma_semaphore, #tpu.memory_space<semaphore_mem>>)
      } else {
      }
      %mul3A_614 = arith.constant 8 : i32
      %mul3A_615 = arith.muli %add3A_445, %mul3A_614 : i32
      %add3A_616 = arith.addi %mul3A_6, %mul3A_615 : i32
      %dma_start3A_617 = arith.constant 6 : i32
      %dma_start3A_618 = arith.constant 2 : i32
      %dma_start3A_619 = arith.constant 6 : i32
      %dma_start3A_620 = arith.constant 0 : i32
      %dma_start3A_621 = arith.constant 0 : i32
      %dma_start3A_622 = tpu.memref_slice %arg5[%dma_start3A_617, %dma_start3A_620, %dma_start3A_621] : memref<8x8x1024xf32, #tpu.memory_space<vmem>> -> memref<1x8x1024xf32, #tpu.memory_space<vmem>>
      %dma_start3A_623 = tpu.memref_squeeze %dma_start3A_622 : memref<1x8x1024xf32, #tpu.memory_space<vmem>> -> memref<8x1024xf32, #tpu.memory_space<vmem>>
      %dma_start3A_624 = arith.constant 0 : i32
      %dma_start3A_625 = tpu.memref_slice %arg4[%dma_start3A_618, %add3A_616, %dma_start3A_624] : memref<4x8192x1024xf32, #tpu.memory_space<hbm>> -> memref<1x8x1024xf32, #tpu.memory_space<hbm>>
      %dma_start3A_626 = tpu.memref_squeeze %dma_start3A_625 : memref<1x8x1024xf32, #tpu.memory_space<hbm>> -> memref<8x1024xf32, #tpu.memory_space<hbm>>
      %dma_start3A_627 = tpu.memref_slice %arg8[%dma_start3A_619] : memref<8x!tpu.dma_semaphore, #tpu.memory_space<semaphore_mem>> -> memref<1x!tpu.dma_semaphore, #tpu.memory_space<semaphore_mem>>
      %dma_start3A_628 = tpu.memref_squeeze %dma_start3A_627 : memref<1x!tpu.dma_semaphore, #tpu.memory_space<semaphore_mem>> -> memref<!tpu.dma_semaphore, #tpu.memory_space<semaphore_mem>>
      %dma_start3A_629 = arith.constant 0 : i32
      %dma_start3A_630 = tpu.memref_slice %arg4[%dma_start3A_618, %add3A_616, %dma_start3A_629] : memref<4x8192x1024xf32, #tpu.memory_space<hbm>> -> memref<1x8x1024xf32, #tpu.memory_space<hbm>>
      %dma_start3A_631 = tpu.memref_squeeze %dma_start3A_630 : memref<1x8x1024xf32, #tpu.memory_space<hbm>> -> memref<8x1024xf32, #tpu.memory_space<hbm>>
      %dma_start3A_632 = arith.constant 0 : i32
      %dma_start3A_633 = arith.constant 0 : i32
      %dma_start3A_634 = tpu.memref_slice %arg5[%dma_start3A_617, %dma_start3A_632, %dma_start3A_633] : memref<8x8x1024xf32, #tpu.memory_space<vmem>> -> memref<1x8x1024xf32, #tpu.memory_space<vmem>>
      %dma_start3A_635 = tpu.memref_squeeze %dma_start3A_634 : memref<1x8x1024xf32, #tpu.memory_space<vmem>> -> memref<8x1024xf32, #tpu.memory_space<vmem>>
      tpu.enqueue_dma source(%dma_start3A_635 : memref<8x1024xf32, #tpu.memory_space<vmem>>) target(%dma_start3A_631 : memref<8x1024xf32, #tpu.memory_space<hbm>>) target_semaphore(%dma_start3A_628 : memref<!tpu.dma_semaphore, #tpu.memory_space<semaphore_mem>>)
      %dma_wait3A_636 = arith.constant 0 : i32
      %dma_wait3A_637 = arith.constant 7 : i32
      %dma_wait3A_638 = arith.constant 7 : i32
      %dma_wait3A_639 = arith.constant 0 : i32
      %dma_wait3A_640 = arith.constant 0 : i32
      %dma_wait3A_641 = tpu.memref_slice %arg5[%dma_wait3A_637, %dma_wait3A_639, %dma_wait3A_640] : memref<8x8x1024xf32, #tpu.memory_space<vmem>> -> memref<1x8x1024xf32, #tpu.memory_space<vmem>>
      %dma_wait3A_642 = tpu.memref_squeeze %dma_wait3A_641 : memref<1x8x1024xf32, #tpu.memory_space<vmem>> -> memref<8x1024xf32, #tpu.memory_space<vmem>>
      %dma_wait3A_643 = arith.constant 0 : i32
      %dma_wait3A_644 = arith.constant 0 : i32
      %dma_wait3A_645 = tpu.memref_slice %arg2[%dma_wait3A_636, %dma_wait3A_643, %dma_wait3A_644] : memref<4x8192x1024xf32, #tpu.memory_space<hbm>> -> memref<1x8x1024xf32, #tpu.memory_space<hbm>>
      %dma_wait3A_646 = tpu.memref_squeeze %dma_wait3A_645 : memref<1x8x1024xf32, #tpu.memory_space<hbm>> -> memref<8x1024xf32, #tpu.memory_space<hbm>>
      %dma_wait3A_647 = tpu.memref_slice %arg7[%dma_wait3A_638] : memref<8x!tpu.dma_semaphore, #tpu.memory_space<semaphore_mem>> -> memref<1x!tpu.dma_semaphore, #tpu.memory_space<semaphore_mem>>
      %dma_wait3A_648 = tpu.memref_squeeze %dma_wait3A_647 : memref<1x!tpu.dma_semaphore, #tpu.memory_space<semaphore_mem>> -> memref<!tpu.dma_semaphore, #tpu.memory_space<semaphore_mem>>
      %dma_wait3A_649 = arith.constant 0 : i32
      %dma_wait3A_650 = arith.constant 0 : i32
      %dma_wait3A_651 = tpu.memref_slice %arg5[%dma_wait3A_637, %dma_wait3A_649, %dma_wait3A_650] : memref<8x8x1024xf32, #tpu.memory_space<vmem>> -> memref<1x8x1024xf32, #tpu.memory_space<vmem>>
      %dma_wait3A_652 = tpu.memref_squeeze %dma_wait3A_651 : memref<1x8x1024xf32, #tpu.memory_space<vmem>> -> memref<8x1024xf32, #tpu.memory_space<vmem>>
      %dma_wait3A_653 = arith.constant 0 : i32
      %dma_wait3A_654 = arith.constant 0 : i32
      %dma_wait3A_655 = tpu.memref_slice %arg2[%dma_wait3A_636, %dma_wait3A_653, %dma_wait3A_654] : memref<4x8192x1024xf32, #tpu.memory_space<hbm>> -> memref<1x8x1024xf32, #tpu.memory_space<hbm>>
      %dma_wait3A_656 = tpu.memref_squeeze %dma_wait3A_655 : memref<1x8x1024xf32, #tpu.memory_space<hbm>> -> memref<8x1024xf32, #tpu.memory_space<hbm>>
      tpu.wait_dma2 semaphore(%dma_wait3A_648 : memref<!tpu.dma_semaphore, #tpu.memory_space<semaphore_mem>>) src(%dma_wait3A_656 : memref<8x1024xf32, #tpu.memory_space<hbm>>) dst(%dma_wait3A_652 : memref<8x1024xf32, #tpu.memory_space<vmem>>)
      %ge3A_657 = arith.constant 1 : i32
      %ge3A_658 = arith.cmpi sge, %add3A_445, %ge3A_657 : i32
      %convert_element_type3A_659 = arith.extui %ge3A_658 : i1 to i32
      %cond3A_660 = arith.constant 0 : i32
      %cond3A_661 = arith.cmpi ne, %convert_element_type3A_659, %cond3A_660 : i32
      scf.if %cond3A_661 {
        %dma_wait3A_692 = arith.constant 3 : i32
        %dma_wait3A_693 = arith.constant 0 : i32
        %dma_wait3A_694 = arith.constant 3 : i32
        %dma_wait3A_695 = arith.constant 0 : i32
        %dma_wait3A_696 = arith.constant 0 : i32
        %dma_wait3A_697 = tpu.memref_slice %arg5[%dma_wait3A_692, %dma_wait3A_695, %dma_wait3A_696] : memref<8x8x1024xf32, #tpu.memory_space<vmem>> -> memref<1x8x1024xf32, #tpu.memory_space<vmem>>
        %dma_wait3A_698 = tpu.memref_squeeze %dma_wait3A_697 : memref<1x8x1024xf32, #tpu.memory_space<vmem>> -> memref<8x1024xf32, #tpu.memory_space<vmem>>
        %dma_wait3A_699 = arith.constant 0 : i32
        %dma_wait3A_700 = arith.constant 0 : i32
        %dma_wait3A_701 = tpu.memref_slice %arg4[%dma_wait3A_693, %dma_wait3A_699, %dma_wait3A_700] : memref<4x8192x1024xf32, #tpu.memory_space<hbm>> -> memref<1x8x1024xf32, #tpu.memory_space<hbm>>
        %dma_wait3A_702 = tpu.memref_squeeze %dma_wait3A_701 : memref<1x8x1024xf32, #tpu.memory_space<hbm>> -> memref<8x1024xf32, #tpu.memory_space<hbm>>
        %dma_wait3A_703 = tpu.memref_slice %arg8[%dma_wait3A_694] : memref<8x!tpu.dma_semaphore, #tpu.memory_space<semaphore_mem>> -> memref<1x!tpu.dma_semaphore, #tpu.memory_space<semaphore_mem>>
        %dma_wait3A_704 = tpu.memref_squeeze %dma_wait3A_703 : memref<1x!tpu.dma_semaphore, #tpu.memory_space<semaphore_mem>> -> memref<!tpu.dma_semaphore, #tpu.memory_space<semaphore_mem>>
        %dma_wait3A_705 = arith.constant 0 : i32
        %dma_wait3A_706 = arith.constant 0 : i32
        %dma_wait3A_707 = tpu.memref_slice %arg4[%dma_wait3A_693, %dma_wait3A_705, %dma_wait3A_706] : memref<4x8192x1024xf32, #tpu.memory_space<hbm>> -> memref<1x8x1024xf32, #tpu.memory_space<hbm>>
        %dma_wait3A_708 = tpu.memref_squeeze %dma_wait3A_707 : memref<1x8x1024xf32, #tpu.memory_space<hbm>> -> memref<8x1024xf32, #tpu.memory_space<hbm>>
        %dma_wait3A_709 = arith.constant 0 : i32
        %dma_wait3A_710 = arith.constant 0 : i32
        %dma_wait3A_711 = tpu.memref_slice %arg5[%dma_wait3A_692, %dma_wait3A_709, %dma_wait3A_710] : memref<8x8x1024xf32, #tpu.memory_space<vmem>> -> memref<1x8x1024xf32, #tpu.memory_space<vmem>>
        %dma_wait3A_712 = tpu.memref_squeeze %dma_wait3A_711 : memref<1x8x1024xf32, #tpu.memory_space<vmem>> -> memref<8x1024xf32, #tpu.memory_space<vmem>>
        tpu.wait_dma2 semaphore(%dma_wait3A_704 : memref<!tpu.dma_semaphore, #tpu.memory_space<semaphore_mem>>) src(%dma_wait3A_712 : memref<8x1024xf32, #tpu.memory_space<vmem>>) dst(%dma_wait3A_708 : memref<8x1024xf32, #tpu.memory_space<hbm>>)
      } else {
      }
      %add3A_662 = arith.constant 1 : i32
      %add3A_663 = arith.addi %add3A_445, %add3A_662 : i32
      %lt3A_664 = arith.constant 32 : i32
      %lt3A_665 = arith.cmpi slt, %add3A_663, %lt3A_664 : i32
      %convert_element_type3A_666 = arith.extui %lt3A_665 : i1 to i32
      %cond3A_667 = arith.constant 0 : i32
      %cond3A_668 = arith.cmpi ne, %convert_element_type3A_666, %cond3A_667 : i32
      scf.if %cond3A_668 {
        %add3A_692 = arith.constant 1 : i32
        %add3A_693 = arith.addi %add3A_445, %add3A_692 : i32
        %mul3A_694 = arith.constant 8 : i32
        %mul3A_695 = arith.muli %add3A_693, %mul3A_694 : i32
        %add3A_696 = arith.addi %add3A_4, %mul3A_695 : i32
        %dma_start3A_697 = arith.constant 3 : i32
        %dma_start3A_698 = arith.constant 3 : i32
        %dma_start3A_699 = arith.constant 3 : i32
        %dma_start3A_700 = arith.constant 0 : i32
        %dma_start3A_701 = arith.constant 0 : i32
        %dma_start3A_702 = tpu.memref_slice %arg5[%dma_start3A_698, %dma_start3A_700, %dma_start3A_701] : memref<8x8x1024xf32, #tpu.memory_space<vmem>> -> memref<1x8x1024xf32, #tpu.memory_space<vmem>>
        %dma_start3A_703 = tpu.memref_squeeze %dma_start3A_702 : memref<1x8x1024xf32, #tpu.memory_space<vmem>> -> memref<8x1024xf32, #tpu.memory_space<vmem>>
        %dma_start3A_704 = arith.constant 0 : i32
        %dma_start3A_705 = tpu.memref_slice %arg2[%dma_start3A_697, %add3A_696, %dma_start3A_704] : memref<4x8192x1024xf32, #tpu.memory_space<hbm>> -> memref<1x8x1024xf32, #tpu.memory_space<hbm>>
        %dma_start3A_706 = tpu.memref_squeeze %dma_start3A_705 : memref<1x8x1024xf32, #tpu.memory_space<hbm>> -> memref<8x1024xf32, #tpu.memory_space<hbm>>
        %dma_start3A_707 = tpu.memref_slice %arg7[%dma_start3A_699] : memref<8x!tpu.dma_semaphore, #tpu.memory_space<semaphore_mem>> -> memref<1x!tpu.dma_semaphore, #tpu.memory_space<semaphore_mem>>
        %dma_start3A_708 = tpu.memref_squeeze %dma_start3A_707 : memref<1x!tpu.dma_semaphore, #tpu.memory_space<semaphore_mem>> -> memref<!tpu.dma_semaphore, #tpu.memory_space<semaphore_mem>>
        %dma_start3A_709 = arith.constant 0 : i32
        %dma_start3A_710 = arith.constant 0 : i32
        %dma_start3A_711 = tpu.memref_slice %arg5[%dma_start3A_698, %dma_start3A_709, %dma_start3A_710] : memref<8x8x1024xf32, #tpu.memory_space<vmem>> -> memref<1x8x1024xf32, #tpu.memory_space<vmem>>
        %dma_start3A_712 = tpu.memref_squeeze %dma_start3A_711 : memref<1x8x1024xf32, #tpu.memory_space<vmem>> -> memref<8x1024xf32, #tpu.memory_space<vmem>>
        %dma_start3A_713 = arith.constant 0 : i32
        %dma_start3A_714 = tpu.memref_slice %arg2[%dma_start3A_697, %add3A_696, %dma_start3A_713] : memref<4x8192x1024xf32, #tpu.memory_space<hbm>> -> memref<1x8x1024xf32, #tpu.memory_space<hbm>>
        %dma_start3A_715 = tpu.memref_squeeze %dma_start3A_714 : memref<1x8x1024xf32, #tpu.memory_space<hbm>> -> memref<8x1024xf32, #tpu.memory_space<hbm>>
        tpu.enqueue_dma source(%dma_start3A_715 : memref<8x1024xf32, #tpu.memory_space<hbm>>) target(%dma_start3A_712 : memref<8x1024xf32, #tpu.memory_space<vmem>>) target_semaphore(%dma_start3A_708 : memref<!tpu.dma_semaphore, #tpu.memory_space<semaphore_mem>>)
      } else {
      }
      %mul3A_669 = arith.constant 8 : i32
      %mul3A_670 = arith.muli %add3A_445, %mul3A_669 : i32
      %add3A_671 = arith.addi %mul3A_6, %mul3A_670 : i32
      %dma_start3A_672 = arith.constant 7 : i32
      %dma_start3A_673 = arith.constant 3 : i32
      %dma_start3A_674 = arith.constant 7 : i32
      %dma_start3A_675 = arith.constant 0 : i32
      %dma_start3A_676 = arith.constant 0 : i32
      %dma_start3A_677 = tpu.memref_slice %arg5[%dma_start3A_672, %dma_start3A_675, %dma_start3A_676] : memref<8x8x1024xf32, #tpu.memory_space<vmem>> -> memref<1x8x1024xf32, #tpu.memory_space<vmem>>
      %dma_start3A_678 = tpu.memref_squeeze %dma_start3A_677 : memref<1x8x1024xf32, #tpu.memory_space<vmem>> -> memref<8x1024xf32, #tpu.memory_space<vmem>>
      %dma_start3A_679 = arith.constant 0 : i32
      %dma_start3A_680 = tpu.memref_slice %arg4[%dma_start3A_673, %add3A_671, %dma_start3A_679] : memref<4x8192x1024xf32, #tpu.memory_space<hbm>> -> memref<1x8x1024xf32, #tpu.memory_space<hbm>>
      %dma_start3A_681 = tpu.memref_squeeze %dma_start3A_680 : memref<1x8x1024xf32, #tpu.memory_space<hbm>> -> memref<8x1024xf32, #tpu.memory_space<hbm>>
      %dma_start3A_682 = tpu.memref_slice %arg8[%dma_start3A_674] : memref<8x!tpu.dma_semaphore, #tpu.memory_space<semaphore_mem>> -> memref<1x!tpu.dma_semaphore, #tpu.memory_space<semaphore_mem>>
      %dma_start3A_683 = tpu.memref_squeeze %dma_start3A_682 : memref<1x!tpu.dma_semaphore, #tpu.memory_space<semaphore_mem>> -> memref<!tpu.dma_semaphore, #tpu.memory_space<semaphore_mem>>
      %dma_start3A_684 = arith.constant 0 : i32
      %dma_start3A_685 = tpu.memref_slice %arg4[%dma_start3A_673, %add3A_671, %dma_start3A_684] : memref<4x8192x1024xf32, #tpu.memory_space<hbm>> -> memref<1x8x1024xf32, #tpu.memory_space<hbm>>
      %dma_start3A_686 = tpu.memref_squeeze %dma_start3A_685 : memref<1x8x1024xf32, #tpu.memory_space<hbm>> -> memref<8x1024xf32, #tpu.memory_space<hbm>>
      %dma_start3A_687 = arith.constant 0 : i32
      %dma_start3A_688 = arith.constant 0 : i32
      %dma_start3A_689 = tpu.memref_slice %arg5[%dma_start3A_672, %dma_start3A_687, %dma_start3A_688] : memref<8x8x1024xf32, #tpu.memory_space<vmem>> -> memref<1x8x1024xf32, #tpu.memory_space<vmem>>
      %dma_start3A_690 = tpu.memref_squeeze %dma_start3A_689 : memref<1x8x1024xf32, #tpu.memory_space<vmem>> -> memref<8x1024xf32, #tpu.memory_space<vmem>>
      tpu.enqueue_dma source(%dma_start3A_690 : memref<8x1024xf32, #tpu.memory_space<vmem>>) target(%dma_start3A_686 : memref<8x1024xf32, #tpu.memory_space<hbm>>) target_semaphore(%dma_start3A_683 : memref<!tpu.dma_semaphore, #tpu.memory_space<semaphore_mem>>)
      %scan3A_691 = arith.constant 0 : i32
      scf.yield %scan3A_691 : i32
    }
    %scan3A_113 = arith.constant 16 : i32
    %dma_wait3A = arith.constant 4 : i32
    %dma_wait3A_114 = arith.constant 0 : i32
    %dma_wait3A_115 = arith.constant 4 : i32
    %dma_wait3A_116 = arith.constant 0 : i32
    %dma_wait3A_117 = arith.constant 0 : i32
    %dma_wait3A_118 = tpu.memref_slice %arg5[%dma_wait3A, %dma_wait3A_116, %dma_wait3A_117] : memref<8x8x1024xf32, #tpu.memory_space<vmem>> -> memref<1x8x1024xf32, #tpu.memory_space<vmem>>
    %dma_wait3A_119 = tpu.memref_squeeze %dma_wait3A_118 : memref<1x8x1024xf32, #tpu.memory_space<vmem>> -> memref<8x1024xf32, #tpu.memory_space<vmem>>
    %dma_wait3A_120 = arith.constant 0 : i32
    %dma_wait3A_121 = arith.constant 0 : i32
    %dma_wait3A_122 = tpu.memref_slice %arg4[%dma_wait3A_114, %dma_wait3A_120, %dma_wait3A_121] : memref<4x8192x1024xf32, #tpu.memory_space<hbm>> -> memref<1x8x1024xf32, #tpu.memory_space<hbm>>
    %dma_wait3A_123 = tpu.memref_squeeze %dma_wait3A_122 : memref<1x8x1024xf32, #tpu.memory_space<hbm>> -> memref<8x1024xf32, #tpu.memory_space<hbm>>
    %dma_wait3A_124 = tpu.memref_slice %arg8[%dma_wait3A_115] : memref<8x!tpu.dma_semaphore, #tpu.memory_space<semaphore_mem>> -> memref<1x!tpu.dma_semaphore, #tpu.memory_space<semaphore_mem>>
    %dma_wait3A_125 = tpu.memref_squeeze %dma_wait3A_124 : memref<1x!tpu.dma_semaphore, #tpu.memory_space<semaphore_mem>> -> memref<!tpu.dma_semaphore, #tpu.memory_space<semaphore_mem>>
    %dma_wait3A_126 = arith.constant 0 : i32
    %dma_wait3A_127 = arith.constant 0 : i32
    %dma_wait3A_128 = tpu.memref_slice %arg4[%dma_wait3A_114, %dma_wait3A_126, %dma_wait3A_127] : memref<4x8192x1024xf32, #tpu.memory_space<hbm>> -> memref<1x8x1024xf32, #tpu.memory_space<hbm>>
    %dma_wait3A_129 = tpu.memref_squeeze %dma_wait3A_128 : memref<1x8x1024xf32, #tpu.memory_space<hbm>> -> memref<8x1024xf32, #tpu.memory_space<hbm>>
    %dma_wait3A_130 = arith.constant 0 : i32
    %dma_wait3A_131 = arith.constant 0 : i32
    %dma_wait3A_132 = tpu.memref_slice %arg5[%dma_wait3A, %dma_wait3A_130, %dma_wait3A_131] : memref<8x8x1024xf32, #tpu.memory_space<vmem>> -> memref<1x8x1024xf32, #tpu.memory_space<vmem>>
    %dma_wait3A_133 = tpu.memref_squeeze %dma_wait3A_132 : memref<1x8x1024xf32, #tpu.memory_space<vmem>> -> memref<8x1024xf32, #tpu.memory_space<vmem>>
    tpu.wait_dma2 semaphore(%dma_wait3A_125 : memref<!tpu.dma_semaphore, #tpu.memory_space<semaphore_mem>>) src(%dma_wait3A_133 : memref<8x1024xf32, #tpu.memory_space<vmem>>) dst(%dma_wait3A_129 : memref<8x1024xf32, #tpu.memory_space<hbm>>)
    %dma_wait3A_134 = arith.constant 5 : i32
    %dma_wait3A_135 = arith.constant 0 : i32
    %dma_wait3A_136 = arith.constant 5 : i32
    %dma_wait3A_137 = arith.constant 0 : i32
    %dma_wait3A_138 = arith.constant 0 : i32
    %dma_wait3A_139 = tpu.memref_slice %arg5[%dma_wait3A_134, %dma_wait3A_137, %dma_wait3A_138] : memref<8x8x1024xf32, #tpu.memory_space<vmem>> -> memref<1x8x1024xf32, #tpu.memory_space<vmem>>
    %dma_wait3A_140 = tpu.memref_squeeze %dma_wait3A_139 : memref<1x8x1024xf32, #tpu.memory_space<vmem>> -> memref<8x1024xf32, #tpu.memory_space<vmem>>
    %dma_wait3A_141 = arith.constant 0 : i32
    %dma_wait3A_142 = arith.constant 0 : i32
    %dma_wait3A_143 = tpu.memref_slice %arg4[%dma_wait3A_135, %dma_wait3A_141, %dma_wait3A_142] : memref<4x8192x1024xf32, #tpu.memory_space<hbm>> -> memref<1x8x1024xf32, #tpu.memory_space<hbm>>
    %dma_wait3A_144 = tpu.memref_squeeze %dma_wait3A_143 : memref<1x8x1024xf32, #tpu.memory_space<hbm>> -> memref<8x1024xf32, #tpu.memory_space<hbm>>
    %dma_wait3A_145 = tpu.memref_slice %arg8[%dma_wait3A_136] : memref<8x!tpu.dma_semaphore, #tpu.memory_space<semaphore_mem>> -> memref<1x!tpu.dma_semaphore, #tpu.memory_space<semaphore_mem>>
    %dma_wait3A_146 = tpu.memref_squeeze %dma_wait3A_145 : memref<1x!tpu.dma_semaphore, #tpu.memory_space<semaphore_mem>> -> memref<!tpu.dma_semaphore, #tpu.memory_space<semaphore_mem>>
    %dma_wait3A_147 = arith.constant 0 : i32
    %dma_wait3A_148 = arith.constant 0 : i32
    %dma_wait3A_149 = tpu.memref_slice %arg4[%dma_wait3A_135, %dma_wait3A_147, %dma_wait3A_148] : memref<4x8192x1024xf32, #tpu.memory_space<hbm>> -> memref<1x8x1024xf32, #tpu.memory_space<hbm>>
    %dma_wait3A_150 = tpu.memref_squeeze %dma_wait3A_149 : memref<1x8x1024xf32, #tpu.memory_space<hbm>> -> memref<8x1024xf32, #tpu.memory_space<hbm>>
    %dma_wait3A_151 = arith.constant 0 : i32
    %dma_wait3A_152 = arith.constant 0 : i32
    %dma_wait3A_153 = tpu.memref_slice %arg5[%dma_wait3A_134, %dma_wait3A_151, %dma_wait3A_152] : memref<8x8x1024xf32, #tpu.memory_space<vmem>> -> memref<1x8x1024xf32, #tpu.memory_space<vmem>>
    %dma_wait3A_154 = tpu.memref_squeeze %dma_wait3A_153 : memref<1x8x1024xf32, #tpu.memory_space<vmem>> -> memref<8x1024xf32, #tpu.memory_space<vmem>>
    tpu.wait_dma2 semaphore(%dma_wait3A_146 : memref<!tpu.dma_semaphore, #tpu.memory_space<semaphore_mem>>) src(%dma_wait3A_154 : memref<8x1024xf32, #tpu.memory_space<vmem>>) dst(%dma_wait3A_150 : memref<8x1024xf32, #tpu.memory_space<hbm>>)
    %dma_wait3A_155 = arith.constant 6 : i32
    %dma_wait3A_156 = arith.constant 0 : i32
    %dma_wait3A_157 = arith.constant 6 : i32
    %dma_wait3A_158 = arith.constant 0 : i32
    %dma_wait3A_159 = arith.constant 0 : i32
    %dma_wait3A_160 = tpu.memref_slice %arg5[%dma_wait3A_155, %dma_wait3A_158, %dma_wait3A_159] : memref<8x8x1024xf32, #tpu.memory_space<vmem>> -> memref<1x8x1024xf32, #tpu.memory_space<vmem>>
    %dma_wait3A_161 = tpu.memref_squeeze %dma_wait3A_160 : memref<1x8x1024xf32, #tpu.memory_space<vmem>> -> memref<8x1024xf32, #tpu.memory_space<vmem>>
    %dma_wait3A_162 = arith.constant 0 : i32
    %dma_wait3A_163 = arith.constant 0 : i32
    %dma_wait3A_164 = tpu.memref_slice %arg4[%dma_wait3A_156, %dma_wait3A_162, %dma_wait3A_163] : memref<4x8192x1024xf32, #tpu.memory_space<hbm>> -> memref<1x8x1024xf32, #tpu.memory_space<hbm>>
    %dma_wait3A_165 = tpu.memref_squeeze %dma_wait3A_164 : memref<1x8x1024xf32, #tpu.memory_space<hbm>> -> memref<8x1024xf32, #tpu.memory_space<hbm>>
    %dma_wait3A_166 = tpu.memref_slice %arg8[%dma_wait3A_157] : memref<8x!tpu.dma_semaphore, #tpu.memory_space<semaphore_mem>> -> memref<1x!tpu.dma_semaphore, #tpu.memory_space<semaphore_mem>>
    %dma_wait3A_167 = tpu.memref_squeeze %dma_wait3A_166 : memref<1x!tpu.dma_semaphore, #tpu.memory_space<semaphore_mem>> -> memref<!tpu.dma_semaphore, #tpu.memory_space<semaphore_mem>>
    %dma_wait3A_168 = arith.constant 0 : i32
    %dma_wait3A_169 = arith.constant 0 : i32
    %dma_wait3A_170 = tpu.memref_slice %arg4[%dma_wait3A_156, %dma_wait3A_168, %dma_wait3A_169] : memref<4x8192x1024xf32, #tpu.memory_space<hbm>> -> memref<1x8x1024xf32, #tpu.memory_space<hbm>>
    %dma_wait3A_171 = tpu.memref_squeeze %dma_wait3A_170 : memref<1x8x1024xf32, #tpu.memory_space<hbm>> -> memref<8x1024xf32, #tpu.memory_space<hbm>>
    %dma_wait3A_172 = arith.constant 0 : i32
    %dma_wait3A_173 = arith.constant 0 : i32
    %dma_wait3A_174 = tpu.memref_slice %arg5[%dma_wait3A_155, %dma_wait3A_172, %dma_wait3A_173] : memref<8x8x1024xf32, #tpu.memory_space<vmem>> -> memref<1x8x1024xf32, #tpu.memory_space<vmem>>
    %dma_wait3A_175 = tpu.memref_squeeze %dma_wait3A_174 : memref<1x8x1024xf32, #tpu.memory_space<vmem>> -> memref<8x1024xf32, #tpu.memory_space<vmem>>
    tpu.wait_dma2 semaphore(%dma_wait3A_167 : memref<!tpu.dma_semaphore, #tpu.memory_space<semaphore_mem>>) src(%dma_wait3A_175 : memref<8x1024xf32, #tpu.memory_space<vmem>>) dst(%dma_wait3A_171 : memref<8x1024xf32, #tpu.memory_space<hbm>>)
    %dma_wait3A_176 = arith.constant 7 : i32
    %dma_wait3A_177 = arith.constant 0 : i32
    %dma_wait3A_178 = arith.constant 7 : i32
    %dma_wait3A_179 = arith.constant 0 : i32
    %dma_wait3A_180 = arith.constant 0 : i32
    %dma_wait3A_181 = tpu.memref_slice %arg5[%dma_wait3A_176, %dma_wait3A_179, %dma_wait3A_180] : memref<8x8x1024xf32, #tpu.memory_space<vmem>> -> memref<1x8x1024xf32, #tpu.memory_space<vmem>>
    %dma_wait3A_182 = tpu.memref_squeeze %dma_wait3A_181 : memref<1x8x1024xf32, #tpu.memory_space<vmem>> -> memref<8x1024xf32, #tpu.memory_space<vmem>>
    %dma_wait3A_183 = arith.constant 0 : i32
    %dma_wait3A_184 = arith.constant 0 : i32
    %dma_wait3A_185 = tpu.memref_slice %arg4[%dma_wait3A_177, %dma_wait3A_183, %dma_wait3A_184] : memref<4x8192x1024xf32, #tpu.memory_space<hbm>> -> memref<1x8x1024xf32, #tpu.memory_space<hbm>>
    %dma_wait3A_186 = tpu.memref_squeeze %dma_wait3A_185 : memref<1x8x1024xf32, #tpu.memory_space<hbm>> -> memref<8x1024xf32, #tpu.memory_space<hbm>>
    %dma_wait3A_187 = tpu.memref_slice %arg8[%dma_wait3A_178] : memref<8x!tpu.dma_semaphore, #tpu.memory_space<semaphore_mem>> -> memref<1x!tpu.dma_semaphore, #tpu.memory_space<semaphore_mem>>
    %dma_wait3A_188 = tpu.memref_squeeze %dma_wait3A_187 : memref<1x!tpu.dma_semaphore, #tpu.memory_space<semaphore_mem>> -> memref<!tpu.dma_semaphore, #tpu.memory_space<semaphore_mem>>
    %dma_wait3A_189 = arith.constant 0 : i32
    %dma_wait3A_190 = arith.constant 0 : i32
    %dma_wait3A_191 = tpu.memref_slice %arg4[%dma_wait3A_177, %dma_wait3A_189, %dma_wait3A_190] : memref<4x8192x1024xf32, #tpu.memory_space<hbm>> -> memref<1x8x1024xf32, #tpu.memory_space<hbm>>
    %dma_wait3A_192 = tpu.memref_squeeze %dma_wait3A_191 : memref<1x8x1024xf32, #tpu.memory_space<hbm>> -> memref<8x1024xf32, #tpu.memory_space<hbm>>
    %dma_wait3A_193 = arith.constant 0 : i32
    %dma_wait3A_194 = arith.constant 0 : i32
    %dma_wait3A_195 = tpu.memref_slice %arg5[%dma_wait3A_176, %dma_wait3A_193, %dma_wait3A_194] : memref<8x8x1024xf32, #tpu.memory_space<vmem>> -> memref<1x8x1024xf32, #tpu.memory_space<vmem>>
    %dma_wait3A_196 = tpu.memref_squeeze %dma_wait3A_195 : memref<1x8x1024xf32, #tpu.memory_space<vmem>> -> memref<8x1024xf32, #tpu.memory_space<vmem>>
    tpu.wait_dma2 semaphore(%dma_wait3A_188 : memref<!tpu.dma_semaphore, #tpu.memory_space<semaphore_mem>>) src(%dma_wait3A_196 : memref<8x1024xf32, #tpu.memory_space<vmem>>) dst(%dma_wait3A_192 : memref<8x1024xf32, #tpu.memory_space<hbm>>)
    return
  }
}

</mosaic_0001>

<sc_bundles>
// kernel: kernel.3.cloned.1.call-start
scs
__scs_entry_jumppad:
0x0: {  	(pc) =	sbr.rel $0x88, $3  }
0x1: {  	(tag) =	ssettag $0x0;
	lr =	simm.s32 $0x1  }
0x2: {  	[smem:$0x3F9F] =	sst lr;
	_ =	strace $0xD0000000  }
0x3: {  	_ = 	snop  }
0x4: {  	_ = 	snop  }
0x5: {  	_ = 	snop  }
0x6: {  	_ = 	snop  }
0x7: {  	_ = 	snop  }
__scs_overlays_trampoline_lowered:
0x8: {  	[smem:$0x3FAE] =	sst s0  }
0x9: {  	[smem:$0x3FAF] =	sst s1  }
0xa: {  	[smem:$0x3FB0] =	sst s2  }
0xb: {  	[smem:$0x3FB1] =	sst s3  }
0xc: {  	[smem:$0x3FB2] =	sst s4  }
0xd: {  	[smem:$0x3FB3] =	sst s5  }
0xe: {  	[smem:$0x3FB4] =	sst s6  }
0xf: {  	[smem:$0x3FB5] =	sst s7  }
0x10: {  	[smem:$0x3FB6] =	sst s8  }
0x11: {  	[smem:$0x3FB7] =	sst s9;
	s0 =	simm.s32 @!p0 $0x0  }
0x12: {  	s1 =	sld [smem:$0x3F9D];
	s0 =	simm.s32 @p0 $0x1  }
0x13: {  	[smem:$0x3FB8] =	sst s0;
	s0 =	simm.s32 @!p1 $0x0  }
0x14: {  	s2 =	sld [smem:$0x3F9C];
	s0 =	simm.s32 @p1 $0x1  }
0x15: {  	[smem:$0x3FB9] =	sst s0;
	s0 =	simm.s32 @!p2 $0x0  }
0x16: {  	s3 =	sld [smem:$0x3FDB];
	s0 =	simm.s32 @p2 $0x1  }
0x17: {  	s4 =	simm.s32 $0x1BF5;
	[smem:$0x3FBB] =	sst s0  }
0x18: {  	s0 =	sld [smem:$0x3F9E];
	_ =	swait.ge [sflag:s4], $0x0  }
0x19: {  	s7 =	sld [smem:$0x3F9F]  }
0x1a: {  	s8 =	sadd.s32 $0xFFFFE003, lr  }
0x1b: {  	s9 =	sadd.s32 $0xFFFFFEF7, lr;
	s5 =	simm.s32 $0xFFFFFFFF;
	p2 =	slt.u32 s8, $0xFFFFF086  }
0x1c: {  	p1 =	slt.u32 s9, $0xF7A;
	s5 =	simm.s32 @!p2 $0x0  }
0x1d: {  	s5 =	simm.s32 @p1 $0x1;
	p0 =	seq.s32 s7, s2  }
0x1e: {  	s7 =	smul.u32 @!p0 $0xF7A, s2;
	p2 =	seq.s32 @!p0 s5, $0x0  }
0x1f: {  	s9 =	smul.u32 $0xF7A, s1;
	s8 =	simm.s32 @!p0 $0x1BF5;
	p2 =	por !p2, p0  }
0x20: {  	[sflag:s8] =	ssyncset.s32 @!p0 $0xFFFFF086;
	s6 =	sadd.s32 @!p0 s3, s7;
	s7 =	simm.s32 @!p0 $0x108  }
0x21: {  	s3 =	sadd.s32 s3, s9;
	s6 =	sadd.s32 @!p0 $0x88, s6;
	s7 =	simm.s32 @p2 $0x1082  }
0x22: {  	[simem:s7], [sflag:s8] =	dma.local @!p0 [hbm:s6], $0xF7A  }
0x23: {  	s9 =	sor.u32 $0xD0000000, s2;
	s6 =	simm.s32 $0x108;
	_ =	swait.ge @!p0 [sflag:s8], $0x0  }
0x24: {  	s3 =	sadd.s32 $0x88, s3;
	s6 =	simm.s32 @!p1 $0x1082;
	[sflag:s4] =	ssyncset.s32 $0xFFFFF086  }
0x25: {  	[simem:s6], [sflag:s4] =	dma.local [hbm:s3], $0xF7A  }
0x26: {  	[smem:$0x3F9F] =	sst s1;
	(tag) =	ssettag s2;
	_ =	strace s9  }
0x27: {  	s1 =	sld [smem:$0x3FAF]  }
0x28: {  	s2 =	sld [smem:$0x3FB0]  }
0x29: {  	s4 =	sld [smem:$0x3FB2]  }
0x2a: {  	p0 =	seq.s32 s5, $0x0;
	s5 =	sld [smem:$0x3FB3]  }
0x2b: {  	s6 =	sld [smem:$0x3FB4]  }
0x2c: {  	s7 =	sld [smem:$0x3FB5]  }
0x2d: {  	s3 =	simm.s32 $0x108;
	s8 =	sld [smem:$0x3FB6]  }
0x2e: {  	s3 =	simm.s32 @!p0 $0x1082;
	s9 =	sld [smem:$0x3FB7]  }
0x2f: {  	lr =	sadd.s32 s0, s3;
	s0 =	sld [smem:$0x3FAE]  }
0x30: {  	s3 =	sld [smem:$0x3FB1]  }
0x31: {  	[smem:$0x3FBA] =	sst s10  }
0x32: {  	s10 =	sld [smem:$0x3FB8];
	_ =	sdelay $0x3  }
0x33: {  	p0 =	seq.s32 s10, $0x1;
	s10 =	sld [smem:$0x3FBA];
	_ =	sdelay $0x3  }
0x34: {  	[smem:$0x3FBA] =	sst s10  }
0x35: {  	s10 =	sld [smem:$0x3FB9];
	_ =	sdelay $0x3  }
0x36: {  	p1 =	seq.s32 s10, $0x1;
	s10 =	sld [smem:$0x3FBA];
	_ =	sdelay $0x3  }
0x37: {  	[smem:$0x3FBA] =	sst s10  }
0x38: {  	s10 =	sld [smem:$0x3FBB]  }
0x39: {  	_ = 	snop;
	(pc) =	sbr.ind lr, $3  }
0x3a: {  	_ = 	snop  }
0x3b: {  	_ = 	snop  }
0x3c: {  	p2 =	seq.s32 s10, $0x1;
	s10 =	sld [smem:$0x3FBA]  }
0x3d: {  	_ =	shalt  }
0x3e: {  	_ =	shalt  }
0x3f: {  	_ =	shalt  }
0x40: {  	_ =	shalt  }
0x41: {  	_ =	shalt  }
0x42: {  	_ =	shalt  }
0x43: {  	_ =	shalt  }
0x44: {  	_ =	shalt  }
0x45: {  	_ =	shalt  }
0x46: {  	_ =	shalt  }
0x47: {  	_ =	shalt  }
0x48: {  	_ =	shalt  }
0x49: {  	_ =	shalt  }
0x4a: {  	_ =	shalt  }
0x4b: {  	_ =	shalt  }
0x4c: {  	_ =	shalt  }
0x4d: {  	_ =	shalt  }
0x4e: {  	_ =	shalt  }
0x4f: {  	_ =	shalt  }
0x50: {  	_ =	shalt  }
0x51: {  	_ =	shalt  }
0x52: {  	_ =	shalt  }
0x53: {  	_ =	shalt  }
0x54: {  	_ =	shalt  }
0x55: {  	_ =	shalt  }
0x56: {  	_ =	shalt  }
0x57: {  	_ =	shalt  }
0x58: {  	_ =	shalt  }
0x59: {  	_ =	shalt  }
0x5a: {  	_ =	shalt  }
0x5b: {  	_ =	shalt  }
0x5c: {  	_ =	shalt  }
0x5d: {  	_ =	shalt  }
0x5e: {  	_ =	shalt  }
0x5f: {  	_ =	shalt  }
0x60: {  	_ =	shalt  }
0x61: {  	_ =	shalt  }
0x62: {  	_ =	shalt  }
0x63: {  	_ =	shalt  }
0x64: {  	_ =	shalt  }
0x65: {  	_ =	shalt  }
0x66: {  	_ =	shalt  }
0x67: {  	_ =	shalt  }
0x68: {  	_ =	shalt  }
0x69: {  	_ =	shalt  }
0x6a: {  	_ =	shalt  }
0x6b: {  	_ =	shalt  }
0x6c: {  	_ =	shalt  }
0x6d: {  	_ =	shalt  }
0x6e: {  	_ =	shalt  }
0x6f: {  	_ =	shalt  }
0x70: {  	_ =	shalt  }
0x71: {  	_ =	shalt  }
0x72: {  	_ =	shalt  }
0x73: {  	_ =	shalt  }
0x74: {  	_ =	shalt  }
0x75: {  	_ =	shalt  }
0x76: {  	_ =	shalt  }
0x77: {  	_ =	shalt  }
0x78: {  	_ =	shalt  }
0x79: {  	_ =	shalt  }
0x7a: {  	_ =	shalt  }
0x7b: {  	_ =	shalt  }
0x7c: {  	_ =	shalt  }
0x7d: {  	_ =	shalt  }
0x7e: {  	_ =	shalt  }
0x7f: {  	_ =	shalt  }
0x80: {  	_ =	shalt  }
0x81: {  	_ =	shalt  }
0x82: {  	_ =	shalt  }
0x83: {  	_ =	shalt  }
0x84: {  	_ =	shalt  }
0x85: {  	_ =	shalt  }
0x86: {  	_ =	shalt  }
0x87: {  	_ =	shalt  }
.Lfunc_end0:
.L_simem_size_0:
called_computation_lowered:
.L_overlay_start_0:
0x88: {  	s2 =	sld [smem:$0x3FD9]  }
0x89: {  	s3 =	sld [smem:$0x3FFE];
	_ =	sdelay $0x1  }
0x8a: {  	s1 =	srdreg.scid  }
0x8b: {  	s0 =	sand.u32 $0x1, s1  }
0x8c: {  	s18 =	sshll.u32 s0, $0xA;
	s2 =	sadd.s32 s3, s2  }
0x8d: {  	s2 =	sadd.s32 s2, s18  }
0x8e: {  	[smem:$0x3FC6] =	sst s2  }
0x8f: {  	_ = 	snop  }
0x90: {  	s2 =	sld [smem:$0x3FC9]  }
0x91: {  	s19 =	sld [smem:$0x3FC8]  }
0x92: {  	s4 =	sld [smem:$0x3FD0];
	(tm) =	ssettm $0x1  }
0x93: {  	s5 =	sld [smem:$0x3FFB];
	_ =	sdelay $0x3  }
0x94: {  	_ =	strace s5  }
0x95: {  	s5 =	sld [smem:$0x3FFC];
	_ =	sdelay $0x3  }
0x96: {  	_ =	strace s5  }
0x97: {  	s5 =	sld [smem:$0x3FFD];
	_ =	sdelay $0x3  }
0x98: {  	_ =	strace s5  }
0x99: {  	_ =	strace $0x8FFFFFFF  }
0x9a: {  	s20 =	sld [smem:$0x3FDB];
	_ =	sdelay $0x1  }
0x9b: {  	s6 =	simm.s32 $_scs_section_size  }
0x9c: {  	s7 =	simm.s32 $_size__tile_overlayer_lowered;
	s8 =	simm.s32 $_tile_overlayer_lowered  }
0x9d: {  	s23 =	simm.s32 $0x1BFF;
	s22 =	sshll.u32 s8, $0x1;
	s5 =	sadd.s32 s6, s20  }
0x9e: {  	s9 =	simm.s32 $0x0;
	s21 =	sshll.u32 s7, $0x1;
	s7 =	sadd.s32 s22, s5  }
0x9f: {  	[timem:s9], [sflag:s23] =	dma.local [hbm:s7], s21  }
0xa0: {  	_ =	swait.ge [sflag:s23], s21  }
0xa1: {  	s6 =	ssub.s32 $0x0, s21;
	[sflag:s23] =	ssyncset.done $0x0  }
0xa2: {  	[sflag:s23] =	ssyncadd.s32 s6;
	_ =	sdelay $0x1  }
0xa3: {  	s24 =	simm.s32 $0x1B8B  }
0xa4: {  	_ =	swait.ge [sflag:s24], $0x1  }
0xa5: {  	[sflag:s24] =	ssyncset.done $0x0  }
0xa6: {  	s25 =	simm.s32 $0x1B8E;
	[sflag:s24] =	ssyncadd.s32 $0xFFFFFFFF  }
0xa7: {  	s26 =	simm.s32 $execute0_lowered;
	[smem:$0x3FD2] =	sst s25  }
0xa8: {  	s6 =	sshll.u32 s26, $0x1;
	_ =	strace $0x80000046;
	[dreg:$0x1] =	wrdreg $0xFFFFFFFF  }
0xa9: {  	s28 =	simm.s32 $_size_execute0_lowered;
	s5 =	sadd.s32 s5, s6;
	[dreg:$0x0] =	wrdreg $0x0  }
0xaa: {  	s6 =	sshll.u32 s28, $0x1;
	[dreg:$0x2] =	wrdreg s5  }
0xab: {  	[dreg:$0x3] =	wrdreg s6  }
0xac: {  	[dreg:$0x4] =	wrdreg $0xC0  }
0xad: {  	_ =	task [dreg:s9], $0x5FFFF  }
0xae: {  	[dreg:$0x1] =	wrdreg $0xFFFFFFFF  }
0xaf: {  	[dreg:$0x0] =	wrdreg $0x60  }
0xb0: {  	[dreg:$0x2] =	wrdreg s2  }
0xb1: {  	[dreg:$0x3] =	wrdreg s19  }
0xb2: {  	[dreg:$0x4] =	wrdreg s4  }
0xb3: {  	[dreg:$0x5] =	wrdreg $0x9  }
0xb4: {  	_ =	task.clear_ibuf [dreg:s9], $0x6FFFF;
	_ =	strace $0x90000046  }
0xb5: {  	s29 =	simm.s32 $0x9;
	_ =	strace $0x80000048  }
0xb6: {  	_ =	swait.ge [sflag:s29], $0x1  }
0xb7: {  	[sflag:s29] =	ssyncadd.s32 $0xFFFFFFFF  }
0xb8: {  	_ =	strace $0x90000048  }
0xb9: {  	_ =	sfence  }
0xba: {  	s30 =	sld [smem:$0x0];
	_ =	sdelay $0x2  }
0xbb: {  	s31 =	sshll.u32 s1, $0xD;
	s1 =	sshrl.u32 s1, $0x2  }
0xbc: {  	s3 =	sand.u32 $0x4000, s31;
	s1 =	sadd.s32 s1, s30  }
0xbd: {  	s0 =	sor.u32 s3, s0;
	s1 =	sshll.u32 s1, $0x11  }
0xbe: {  	s0 =	sor.u32 s1, s0  }
0xbf: {  	s0 =	sadd.s32 $0x8F2B, s0  }
0xc0: {  	[sflag:s0] =	ssyncadd.remote.s32 $0x1  }
0xc1: {  	_ =	sfence.sel $0xFFFF  }
0xc2: {  	[dreg:$0x0] =	wrdreg $0xFFFFFFFF;
	(pc) =	sbr.abs _section_cstart, $3  }
0xc3: {  	[dreg:$0x1] =	wrdreg $0xFFFFFFFF  }
0xc4: {  	_ =	task.clear_ibuf [dreg:s9], $0x2FFFF;
	_ =	strace $0x9FFFFFFF  }
0xc5: {  	(tm) =	ssettm $0x7FFFFFFF  }
tec
execute0_lowered:
.L_overlay_start_1:
0x0: {  	(tag) =	ssettag $0x1  }
0x1: {  	s1 =	rddreg [dreg:$0x0]  }
0x2: {  	s0 =	rddreg [dreg:$0x1]  }
0x3: {  	s2 =	rddreg [dreg:$0x2];
	s3 =	simm.s32 $0x0;
	s4 =	srdreg.scid  }
0x4: {  	s7 =	stileid.u32;
	s13 =	simm.s32 $0x2000;
	s14 =	simm.s32 $0x4000  }
0x5: {  	s15 =	simm.s32 $0x6000;
	s16 =	simm.s32 $0x11;
	s26 =	simm.s32 $0x12000  }
0x6: {  	s10 =	simm.s32 $0xA000;
	s28 =	simm.s32 $0xA;
	s29 =	simm.s32 $0x7  }
0x7: {  	[smem:$0x7FF] =	sst s3;
	s4 =	sand.u32 $0x1, s4;
	s7 =	sshll.u32 s7, $0x10  }
0x8: {  	_ =	strace $0x80000047;
	s5 =	ssub.s32 $0x2, s4;
	s4 =	sshll.u32 s4, $0xF  }
0x9: {  	s8 =	sadd.s32 s7, s2;
	[dreg:$0x9] =	wrdreg s26;
	s6 =	sshrl.u32 s5, $0x1  }
0xa: {  	s6 =	ssub.s32 s5, s6;
	s5 =	sor.u32 s4, s7;
	s4 =	sadd.s32 s4, s8  }
0xb: {  	s30 =	simm.s32 $0xB;
	s9 =	sadd.s32 s5, s0;
	[dreg:$0x4] =	wrdreg s4  }
0xc: {  	s31 =	simm.s32 $0x8;
	s25 =	smax.u32 s6, $0x1;
	[dreg:$0xa] =	wrdreg s9  }
0xd: {  	s7 =	sadd.s32 s5, s1;
	s17 =	sadd.s32 $0x400, s9;
	[dreg:$0xe] =	wrdreg s25  }
0xe: {  	s18 =	sadd.s32 s5, s2;
	s21 =	sadd.s32 $0x100000, s7;
	[dreg:$0x5] =	wrdreg s17  }
0xf: {  	s26 =	simm.s32 $0x6;
	s19 =	sadd.s32 $0x400, s18;
	[dreg:$0xb] =	wrdreg s21  }
0x10: {  	s20 =	sor.u32 $0x800, s5;
	s23 =	sadd.s32 $0x200000, s7;
	[dreg:$0x6] =	wrdreg s19  }
0x11: {  	s8 =	simm.s32 $0x0;
	s22 =	sadd.s32 s20, s1;
	[dreg:$0xc] =	wrdreg s23  }
0x12: {  	s0 =	sadd.s32 s20, s0;
	s24 =	sadd.s32 $0x300000, s7;
	[dreg:$0x7] =	wrdreg s22  }
0x13: {  	s18 =	simm.s32 $0x8000;
	s20 =	simm.s32 $0xC000;
	[dreg:$0xd] =	wrdreg s24  }
0x14: {  	s25 =	simm.s32 $0x12;
	[dreg:$0x8] =	wrdreg s0;
	s17 =	simm.s32 $0x1  }
0x15: {  	s19 =	simm.s32 $0x2;
	s21 =	simm.s32 $0x3;
	s23 =	simm.s32 $0x4  }
0x16: {  	s24 =	simm.s32 $0xE000;
	s0 =	simm.s32 $0xC;
	s22 =	simm.s32 $0xA000  }
.LBB2_1:
0x17: {  	s4 =	rddreg [dreg:$0xa];
	s6 =	simm.s32 $0x10000  }
0x18: {  	[tilespmem:s6], [sflag:$0x11] =	stream.linear.gather [hbm4b:s4+s3], $0x2000, $0x38;
	[tilespmem:$0x14000] =	vst v63  }
0x19: {  	[dreg:$0xf] =	wrdreg s8  }
0x1a: {  	[tilespmem:s3], [sflag:$0x1] =	stream.linear.gather [hbm4b:s7+s3], $0x2000, $0x38;
	[tilespmem:$0x14000] =	vst v63  }
0x1b: {  	s6 =	rddreg [dreg:$0xb]  }
0x1c: {  	[tilespmem:s13], [sflag:$0x2] =	stream.linear.gather [hbm4b:s6+s3], $0x2000, $0x38;
	[tilespmem:$0x14000] =	vst v63  }
0x1d: {  	s8 =	rddreg [dreg:$0xc]  }
0x1e: {  	[tilespmem:s14], [sflag:$0x3] =	stream.linear.gather [hbm4b:s8+s3], $0x2000, $0x38;
	[tilespmem:$0x14000] =	vst v63  }
0x1f: {  	s9 =	rddreg [dreg:$0xd]  }
0x20: {  	[tilespmem:s15], [sflag:$0x4] =	stream.linear.gather [hbm4b:s9+s3], $0x2000, $0x38;
	[tilespmem:$0x14000] =	vst v63  }
0x21: {  	_ =	swait.ge [sflag:s16], $0x2000  }
0x22: {  	s11 =	rddreg [dreg:$0x5];
	[sflag:s16] =	ssyncset.done $0x0  }
0x23: {  	s12 =	rddreg [dreg:$0x9];
	[sflag:s16] =	ssyncadd.s32 $0xFFFFE000;
	s4 =	sadd.s32 $0x0, s11  }
0x24: {  	[tilespmem:s12], [sflag:$0x12] =	stream.linear.gather [hbm4b:s4+s3], $0x2000, $0x38;
	[tilespmem:$0x14000] =	vst v63  }
0x25: {  	_ =	swait.ge [sflag:s17], $0x2000  }
0x26: {  	p0 =	por $0x1, $0x1;
	[sflag:s17] =	ssyncset.done $0x0  }
0x27: {  	s4 =	simm.s32 @!p0 $0xD;
	[sflag:s17] =	ssyncadd.s32 $0xFFFFE000  }
0x28: {  	_ =	swait.ge @!p0 [sflag:s4], $0x2000  }
0x29: {  	s8 =	sadd.s32 $0x0, s7;
	[sflag:s4] =	ssyncset.done @!p0 $0x0  }
0x2a: {  	s11 =	sadd.s32 $0x400, s8;
	s9 =	rddreg [dreg:$0x4];
	[sflag:s4] =	ssyncadd.s32 @!p0 $0xFFFFE000  }
0x2b: {  	[tilespmem:s18], [sflag:$0x5] =	stream.linear.gather [hbm4b:s11+s3], $0x2000, $0x38;
	[tilespmem:$0x14000] =	vst v63  }
0x2c: {  	s9 =	sadd.s32 $0x0, s9  }
0x2d: {  	[hbm4b:s9+s3] =	stream.linear.scatter [tilespmem:s3], [sflag:$0x9], $0x2000, $0x38;
	[tilespmem:$0x14000] =	vst v63  }
0x2e: {  	_ =	swait.ge [sflag:s19], $0x2000  }
0x2f: {  	[sflag:s19] =	ssyncset.done $0x0  }
0x30: {  	s6 =	simm.s32 @!p0 $0xE;
	[sflag:s19] =	ssyncadd.s32 $0xFFFFE000  }
0x31: {  	s8 =	sadd.s32 $0x0, s5;
	_ =	swait.ge @!p0 [sflag:s6], $0x2000  }
0x32: {  	s4 =	sor.u32 $0x100400, s8;
	[sflag:s6] =	ssyncset.done @!p0 $0x0  }
0x33: {  	s12 =	sadd.s32 s1, s4;
	[sflag:s6] =	ssyncadd.s32 @!p0 $0xFFFFE000  }
0x34: {  	[tilespmem:s10], [sflag:$0x6] =	stream.linear.gather [hbm4b:s12+s3], $0x2000, $0x38;
	[tilespmem:$0x14000] =	vst v63  }
0x35: {  	s11 =	sadd.s32 $0x100000, s9  }
0x36: {  	[hbm4b:s11+s3] =	stream.linear.scatter [tilespmem:s13], [sflag:$0xA], $0x2000, $0x38;
	[tilespmem:$0x14000] =	vst v63  }
0x37: {  	_ =	swait.ge [sflag:s21], $0x2000  }
0x38: {  	[sflag:s21] =	ssyncset.done $0x0  }
0x39: {  	s10 =	simm.s32 @!p0 $0xF;
	[sflag:s21] =	ssyncadd.s32 $0xFFFFE000  }
0x3a: {  	_ =	swait.ge @!p0 [sflag:s10], $0x2000  }
0x3b: {  	s6 =	sor.u32 $0x200400, s8;
	[sflag:s10] =	ssyncset.done @!p0 $0x0  }
0x3c: {  	s12 =	sadd.s32 s1, s6;
	[sflag:s10] =	ssyncadd.s32 @!p0 $0xFFFFE000  }
0x3d: {  	[tilespmem:s20], [sflag:$0x7] =	stream.linear.gather [hbm4b:s12+s3], $0x2000, $0x38;
	[tilespmem:$0x14000] =	vst v63  }
0x3e: {  	s11 =	sadd.s32 $0x200000, s9  }
0x3f: {  	[hbm4b:s11+s3] =	stream.linear.scatter [tilespmem:s14], [sflag:$0xB], $0x2000, $0x38;
	[tilespmem:$0x14000] =	vst v63  }
0x40: {  	_ =	swait.ge [sflag:s23], $0x2000  }
0x41: {  	[sflag:s23] =	ssyncset.done $0x0  }
0x42: {  	s10 =	simm.s32 @!p0 $0x10;
	[sflag:s23] =	ssyncadd.s32 $0xFFFFE000  }
0x43: {  	_ =	swait.ge @!p0 [sflag:s10], $0x2000  }
0x44: {  	s8 =	sor.u32 $0x300400, s8;
	[sflag:s10] =	ssyncset.done @!p0 $0x0  }
0x45: {  	s12 =	sadd.s32 s1, s8;
	[sflag:s10] =	ssyncadd.s32 @!p0 $0xFFFFE000  }
0x46: {  	[tilespmem:s24], [sflag:$0x8] =	stream.linear.gather [hbm4b:s12+s3], $0x2000, $0x38;
	[tilespmem:$0x14000] =	vst v63  }
0x47: {  	s9 =	sadd.s32 $0x300000, s9  }
0x48: {  	[hbm4b:s9+s3] =	stream.linear.scatter [tilespmem:s15], [sflag:$0xC], $0x2000, $0x38;
	[tilespmem:$0x14000] =	vst v63  }
0x49: {  	_ =	swait.ge [sflag:s25], $0x2000  }
0x4a: {  	p0 =	por $0x0, $0x0;
	[sflag:s25] =	ssyncset.done $0x0  }
0x4b: {  	s9 =	simm.s32 @p0 $0x5;
	[sflag:s25] =	ssyncadd.s32 $0xFFFFE000  }
0x4c: {  	_ =	swait.ge @p0 [sflag:s9], $0x2000  }
0x4d: {  	[sflag:s9] =	ssyncset.done @p0 $0x0  }
0x4e: {  	[sflag:s9] =	ssyncadd.s32 @p0 $0xFFFFE000;
	s9 =	simm.s32 @p0 $0x9  }
0x4f: {  	s11 =	simm.s32 @!p0 $0x10000;
	_ =	swait.ge @p0 [sflag:s9], $0x2000  }
0x50: {  	s12 =	simm.s32 @!p0 $0x5;
	s10 =	rddreg [dreg:$0x8];
	[sflag:s9] =	ssyncset.done @p0 $0x0  }
0x51: {  	[sflag:s9] =	ssyncadd.s32 @p0 $0xFFFFE000;
	s9 =	sadd.s32 @!p0 $0x0, s10;
	s10 =	simm.s32 @!p0 $0x0  }
0x52: {  	[tilespmem:s11], [sflag:$0x11] =	stream.linear.gather @!p0 [hbm4b:s9+s10], $0x2000, $0x38;
	[tilespmem:$0x14000] =	vst v63  }
0x53: {  	_ =	swait.ge @!p0 [sflag:s12], $0x2000  }
0x54: {  	[sflag:s12] =	ssyncset.done @!p0 $0x0  }
0x55: {  	s9 =	simm.s32 @!p0 $0x9;
	[sflag:s12] =	ssyncadd.s32 @!p0 $0xFFFFE000  }
0x56: {  	_ =	swait.ge @!p0 [sflag:s9], $0x2000  }
0x57: {  	s11 =	rddreg [dreg:$0x7];
	[sflag:s9] =	ssyncset.done @!p0 $0x0  }
0x58: {  	s12 =	rddreg [dreg:$0x6];
	[sflag:s9] =	ssyncadd.s32 @!p0 $0xFFFFE000;
	s9 =	sadd.s32 @!p0 $0x0, s11  }
0x59: {  	[tilespmem:s10], [sflag:$0x1] =	stream.linear.gather @!p0 [hbm4b:s9+s10], $0x2000, $0x38;
	[tilespmem:$0x14000] =	vst v63  }
0x5a: {  	s11 =	sadd.s32 $0x0, s12  }
0x5b: {  	[hbm4b:s11+s3] =	stream.linear.scatter [tilespmem:s18], [sflag:$0xD], $0x2000, $0x38;
	[tilespmem:$0x14000] =	vst v63  }
0x5c: {  	_ =	swait.ge [sflag:s26], $0x2000  }
0x5d: {  	[sflag:s26] =	ssyncset.done $0x0  }
0x5e: {  	[sflag:s26] =	ssyncadd.s32 $0xFFFFE000  }
0x5f: {  	_ =	swait.ge [sflag:s28], $0x2000  }
0x60: {  	s9 =	sadd.s32 @!p0 $0x0, s7;
	[sflag:s28] =	ssyncset.done $0x0  }
0x61: {  	s12 =	simm.s32 @!p0 $0x2000;
	s11 =	sadd.s32 @!p0 $0x100800, s9;
	[sflag:s28] =	ssyncadd.s32 $0xFFFFE000  }
0x62: {  	[tilespmem:s12], [sflag:$0x2] =	stream.linear.gather @!p0 [hbm4b:s11+s10], $0x2000, $0x38;
	[tilespmem:$0x14000] =	vst v63  }
0x63: {  	s4 =	sadd.s32 s2, s4  }
0x64: {  	[hbm4b:s4+s3] =	stream.linear.scatter [tilespmem:s22], [sflag:$0xE], $0x2000, $0x38;
	[tilespmem:$0x14000] =	vst v63  }
0x65: {  	_ =	swait.ge [sflag:s29], $0x2000  }
0x66: {  	[sflag:s29] =	ssyncset.done $0x0  }
0x67: {  	[sflag:s29] =	ssyncadd.s32 $0xFFFFE000  }
0x68: {  	_ =	swait.ge [sflag:s30], $0x2000  }
0x69: {  	[sflag:s30] =	ssyncset.done $0x0  }
0x6a: {  	s11 =	simm.s32 @!p0 $0x4000;
	s4 =	sadd.s32 @!p0 $0x200800, s9;
	[sflag:s30] =	ssyncadd.s32 $0xFFFFE000  }
0x6b: {  	[tilespmem:s11], [sflag:$0x3] =	stream.linear.gather @!p0 [hbm4b:s4+s10], $0x2000, $0x38;
	[tilespmem:$0x14000] =	vst v63  }
0x6c: {  	s12 =	sadd.s32 s2, s6  }
0x6d: {  	[hbm4b:s12+s3] =	stream.linear.scatter [tilespmem:s20], [sflag:$0xF], $0x2000, $0x38;
	[tilespmem:$0x14000] =	vst v63  }
0x6e: {  	_ =	swait.ge [sflag:s31], $0x2000  }
0x6f: {  	[sflag:s31] =	ssyncset.done $0x0  }
0x70: {  	[sflag:s31] =	ssyncadd.s32 $0xFFFFE000  }
0x71: {  	_ =	swait.ge [sflag:s0], $0x2000  }
0x72: {  	[sflag:s0] =	ssyncset.done $0x0  }
0x73: {  	s6 =	simm.s32 @!p0 $0x6000;
	s4 =	sadd.s32 @!p0 $0x300800, s9;
	[sflag:s0] =	ssyncadd.s32 $0xFFFFE000  }
0x74: {  	[tilespmem:s6], [sflag:$0x4] =	stream.linear.gather @!p0 [hbm4b:s4+s10], $0x2000, $0x38;
	[tilespmem:$0x14000] =	vst v63  }
0x75: {  	s10 =	simm.s32 $0x800;
	s4 =	sadd.s32 s2, s8  }
.LBB2_2:
0x76: {  	[hbm4b:s4+s3] =	stream.linear.scatter [tilespmem:s24], [sflag:$0x10], $0x2000, $0x38;
	[tilespmem:$0x14000] =	vst v63  }
0x77: {  	_ =	swait.ge [sflag:s16], $0x2000  }
0x78: {  	s11 =	smov.u32 s10;
	s8 =	rddreg [dreg:$0x5];
	[sflag:s16] =	ssyncset.done $0x0  }
0x79: {  	s6 =	rddreg [dreg:$0x9];
	[sflag:s16] =	ssyncadd.s32 $0xFFFFE000;
	s4 =	sadd.s32 s11, s8  }
0x7a: {  	[tilespmem:s6], [sflag:$0x12] =	stream.linear.gather [hbm4b:s4+s3], $0x2000, $0x38;
	[tilespmem:$0x14000] =	vst v63  }
0x7b: {  	_ =	swait.ge [sflag:s17], $0x2000  }
0x7c: {  	p1 =	seq.s32 s11, $0x0;
	[sflag:s17] =	ssyncset.done $0x0  }
0x7d: {  	s4 =	simm.s32 @!p1 $0xD;
	[sflag:s17] =	ssyncadd.s32 $0xFFFFE000  }
0x7e: {  	_ =	swait.ge @!p1 [sflag:s4], $0x2000  }
0x7f: {  	s9 =	sadd.s32 s11, s7;
	[sflag:s4] =	ssyncset.done @!p1 $0x0  }
0x80: {  	s12 =	sadd.s32 $0x400, s9;
	s8 =	rddreg [dreg:$0x4];
	[sflag:s4] =	ssyncadd.s32 @!p1 $0xFFFFE000  }
0x81: {  	[tilespmem:s18], [sflag:$0x5] =	stream.linear.gather [hbm4b:s12+s3], $0x2000, $0x38;
	[tilespmem:$0x14000] =	vst v63  }
0x82: {  	s6 =	sadd.s32 s11, s8  }
0x83: {  	[hbm4b:s6+s3] =	stream.linear.scatter [tilespmem:s3], [sflag:$0x9], $0x2000, $0x38;
	[tilespmem:$0x14000] =	vst v63  }
0x84: {  	_ =	swait.ge [sflag:s19], $0x2000  }
0x85: {  	[sflag:s19] =	ssyncset.done $0x0  }
0x86: {  	s8 =	simm.s32 @!p1 $0xE;
	[sflag:s19] =	ssyncadd.s32 $0xFFFFE000  }
0x87: {  	s9 =	sadd.s32 s11, s5;
	_ =	swait.ge @!p1 [sflag:s8], $0x2000  }
0x88: {  	s12 =	sor.u32 $0x100400, s9;
	[sflag:s8] =	ssyncset.done @!p1 $0x0  }
0x89: {  	s18 =	sadd.s32 s1, s12;
	[sflag:s8] =	ssyncadd.s32 @!p1 $0xFFFFE000  }
0x8a: {  	[tilespmem:s22], [sflag:$0x6] =	stream.linear.gather [hbm4b:s18+s3], $0x2000, $0x38;
	[tilespmem:$0x14000] =	vst v63  }
0x8b: {  	s18 =	sadd.s32 $0x100000, s6  }
0x8c: {  	[hbm4b:s18+s3] =	stream.linear.scatter [tilespmem:s13], [sflag:$0xA], $0x2000, $0x38;
	[tilespmem:$0x14000] =	vst v63  }
0x8d: {  	_ =	swait.ge [sflag:s21], $0x2000  }
0x8e: {  	[sflag:s21] =	ssyncset.done $0x0  }
0x8f: {  	s8 =	simm.s32 @!p1 $0xF;
	[sflag:s21] =	ssyncadd.s32 $0xFFFFE000  }
0x90: {  	_ =	swait.ge @!p1 [sflag:s8], $0x2000  }
0x91: {  	s4 =	sor.u32 $0x200400, s9;
	[sflag:s8] =	ssyncset.done @!p1 $0x0  }
0x92: {  	s18 =	sadd.s32 s1, s4;
	[sflag:s8] =	ssyncadd.s32 @!p1 $0xFFFFE000  }
0x93: {  	[tilespmem:s20], [sflag:$0x7] =	stream.linear.gather [hbm4b:s18+s3], $0x2000, $0x38;
	[tilespmem:$0x14000] =	vst v63  }
0x94: {  	s20 =	sadd.s32 $0x200000, s6  }
0x95: {  	[hbm4b:s20+s3] =	stream.linear.scatter [tilespmem:s14], [sflag:$0xB], $0x2000, $0x38;
	[tilespmem:$0x14000] =	vst v63  }
0x96: {  	_ =	swait.ge [sflag:s23], $0x2000  }
0x97: {  	[sflag:s23] =	ssyncset.done $0x0  }
0x98: {  	s13 =	simm.s32 @!p1 $0x10;
	[sflag:s23] =	ssyncadd.s32 $0xFFFFE000  }
0x99: {  	_ =	swait.ge @!p1 [sflag:s13], $0x2000  }
0x9a: {  	s8 =	sor.u32 $0x300400, s9;
	[sflag:s13] =	ssyncset.done @!p1 $0x0  }
0x9b: {  	s9 =	sadd.s32 s1, s8;
	[sflag:s13] =	ssyncadd.s32 @!p1 $0xFFFFE000  }
0x9c: {  	[tilespmem:s24], [sflag:$0x8] =	stream.linear.gather [hbm4b:s9+s3], $0x2000, $0x38;
	[tilespmem:$0x14000] =	vst v63  }
0x9d: {  	s6 =	sadd.s32 $0x300000, s6  }
0x9e: {  	[hbm4b:s6+s3] =	stream.linear.scatter [tilespmem:s15], [sflag:$0xC], $0x2000, $0x38;
	[tilespmem:$0x14000] =	vst v63  }
0x9f: {  	_ =	swait.ge [sflag:s25], $0x2000  }
0xa0: {  	p1 =	seq.s32 s11, $0x7800;
	[sflag:s25] =	ssyncset.done $0x0  }
0xa1: {  	s6 =	simm.s32 @p1 $0x5;
	[sflag:s25] =	ssyncadd.s32 $0xFFFFE000  }
0xa2: {  	_ =	swait.ge @p1 [sflag:s6], $0x2000  }
0xa3: {  	[sflag:s6] =	ssyncset.done @p1 $0x0  }
0xa4: {  	[sflag:s6] =	ssyncadd.s32 @p1 $0xFFFFE000;
	s6 =	simm.s32 @p1 $0x9  }
0xa5: {  	s20 =	smov.u32 s5;
	s5 =	simm.s32 @!p1 $0x10000;
	_ =	swait.ge @p1 [sflag:s6], $0x2000  }
0xa6: {  	s18 =	simm.s32 @!p1 $0x5;
	s15 =	rddreg [dreg:$0x8];
	[sflag:s6] =	ssyncset.done @p1 $0x0  }
0xa7: {  	[sflag:s6] =	ssyncadd.s32 @p1 $0xFFFFE000;
	s15 =	sadd.s32 @!p1 s11, s15;
	s6 =	simm.s32 @!p1 $0x0  }
0xa8: {  	[tilespmem:s5], [sflag:$0x11] =	stream.linear.gather @!p1 [hbm4b:s15+s6], $0x2000, $0x38;
	[tilespmem:$0x14000] =	vst v63  }
0xa9: {  	_ =	swait.ge @!p1 [sflag:s18], $0x2000  }
0xaa: {  	[sflag:s18] =	ssyncset.done @!p1 $0x0  }
0xab: {  	s5 =	simm.s32 @!p1 $0x9;
	[sflag:s18] =	ssyncadd.s32 @!p1 $0xFFFFE000  }
0xac: {  	_ =	swait.ge @!p1 [sflag:s5], $0x2000  }
0xad: {  	s15 =	rddreg [dreg:$0x7];
	[sflag:s5] =	ssyncset.done @!p1 $0x0  }
0xae: {  	s18 =	rddreg [dreg:$0x6];
	[sflag:s5] =	ssyncadd.s32 @!p1 $0xFFFFE000;
	s5 =	sadd.s32 @!p1 s11, s15  }
0xaf: {  	[tilespmem:s6], [sflag:$0x1] =	stream.linear.gather @!p1 [hbm4b:s5+s6], $0x2000, $0x38;
	[tilespmem:$0x14000] =	vst v63  }
0xb0: {  	s9 =	sadd.s32 @!p1 s11, s7;
	s11 =	sadd.s32 s11, s18;
	s18 =	simm.s32 $0x8000  }
0xb1: {  	[hbm4b:s11+s3] =	stream.linear.scatter [tilespmem:s18], [sflag:$0xD], $0x2000, $0x38;
	[tilespmem:$0x14000] =	vst v63  }
0xb2: {  	_ =	swait.ge [sflag:s26], $0x2000  }
0xb3: {  	[sflag:s26] =	ssyncset.done $0x0  }
0xb4: {  	[sflag:s26] =	ssyncadd.s32 $0xFFFFE000  }
0xb5: {  	_ =	swait.ge [sflag:s28], $0x2000  }
0xb6: {  	[sflag:s28] =	ssyncset.done $0x0  }
0xb7: {  	s14 =	sadd.s32 @!p1 $0x100800, s9;
	s5 =	simm.s32 @!p1 $0x2000;
	[sflag:s28] =	ssyncadd.s32 $0xFFFFE000  }
0xb8: {  	[tilespmem:s5], [sflag:$0x2] =	stream.linear.gather @!p1 [hbm4b:s14+s6], $0x2000, $0x38;
	[tilespmem:$0x14000] =	vst v63  }
0xb9: {  	s12 =	sadd.s32 s2, s12  }
0xba: {  	[hbm4b:s12+s3] =	stream.linear.scatter [tilespmem:s22], [sflag:$0xE], $0x2000, $0x38;
	[tilespmem:$0x14000] =	vst v63  }
0xbb: {  	_ =	swait.ge [sflag:s29], $0x2000  }
0xbc: {  	[sflag:s29] =	ssyncset.done $0x0  }
0xbd: {  	[sflag:s29] =	ssyncadd.s32 $0xFFFFE000  }
0xbe: {  	_ =	swait.ge [sflag:s30], $0x2000  }
0xbf: {  	[sflag:s30] =	ssyncset.done $0x0  }
0xc0: {  	s13 =	sadd.s32 @!p1 $0x200800, s9;
	s5 =	simm.s32 @!p1 $0x4000;
	[sflag:s30] =	ssyncadd.s32 $0xFFFFE000  }
0xc1: {  	[tilespmem:s5], [sflag:$0x3] =	stream.linear.gather @!p1 [hbm4b:s13+s6], $0x2000, $0x38;
	[tilespmem:$0x14000] =	vst v63  }
0xc2: {  	s4 =	sadd.s32 s2, s4;
	s5 =	smov.u32 s20;
	s20 =	simm.s32 $0xC000  }
0xc3: {  	[hbm4b:s4+s3] =	stream.linear.scatter [tilespmem:s20], [sflag:$0xF], $0x2000, $0x38;
	[tilespmem:$0x14000] =	vst v63  }
0xc4: {  	_ =	swait.ge [sflag:s31], $0x2000  }
0xc5: {  	s10 =	sadd.s32 $0x800, s10;
	[sflag:s31] =	ssyncset.done $0x0  }
0xc6: {  	p0 =	sne.s32 s10, $0x8000;
	[sflag:s31] =	ssyncadd.s32 $0xFFFFE000  }
.Ltmp0:
0xc7: {  	_ =	swait.ge [sflag:s0], $0x2000;
	(pc) =	sbr.rel @p0 .LBB2_2-.Ltmp0, $4  }
0xc8: {  	s9 =	sadd.s32 @!p1 $0x300800, s9;
	[sflag:s0] =	ssyncset.done $0x0  }
0xc9: {  	s15 =	simm.s32 $0x6000;
	s4 =	simm.s32 @!p1 $0x6000;
	[sflag:s0] =	ssyncadd.s32 $0xFFFFE000  }
0xca: {  	[tilespmem:s4], [sflag:$0x4] =	stream.linear.gather @!p1 [hbm4b:s9+s6], $0x2000, $0x38;
	[tilespmem:$0x14000] =	vst v63  }
0xcb: {  	s14 =	simm.s32 $0x4000;
	s13 =	simm.s32 $0x2000;
	s4 =	sadd.s32 s2, s8  }
0xcc: {  	[hbm4b:s4+s3] =	stream.linear.scatter [tilespmem:s24], [sflag:$0x10], $0x2000, $0x38;
	[tilespmem:$0x14000] =	vst v63  }
0xcd: {  	s9 =	simm.s32 $0xD  }
0xce: {  	_ =	swait.ge [sflag:s9], $0x2000  }
0xcf: {  	[sflag:s9] =	ssyncset.done $0x0  }
0xd0: {  	s10 =	simm.s32 $0xE;
	[sflag:s9] =	ssyncadd.s32 $0xFFFFE000  }
0xd1: {  	_ =	swait.ge [sflag:s10], $0x2000  }
0xd2: {  	[sflag:s10] =	ssyncset.done $0x0  }
0xd3: {  	s11 =	simm.s32 $0xF;
	[sflag:s10] =	ssyncadd.s32 $0xFFFFE000  }
0xd4: {  	_ =	swait.ge [sflag:s11], $0x2000  }
0xd5: {  	[sflag:s11] =	ssyncset.done $0x0  }
0xd6: {  	s6 =	simm.s32 $0x10;
	[sflag:s11] =	ssyncadd.s32 $0xFFFFE000  }
0xd7: {  	_ =	swait.ge [sflag:s6], $0x2000  }
0xd8: {  	s8 =	rddreg [dreg:$0xf]  }
0xd9: {  	s12 =	rddreg [dreg:$0xe];
	s8 =	sadd.s32 $0x1, s8  }
0xda: {  	p0 =	sne.s32 s8, s12  }
.Ltmp1:
0xdb: {  	_ = 	snop;
	(pc) =	sbr.rel @p0 .LBB2_1-.Ltmp1, $3  }
0xdc: {  	_ =	sdelay $0x1  }
0xdd: {  	[sflag:s6] =	ssyncset.done $0x0  }
0xde: {  	s10 =	simm.s32 $0xA000;
	[sflag:s6] =	ssyncadd.s32 $0xFFFFE000  }
0xdf: {  	_ =	sfence.sel $0x180000  }
0xe0: {  	[bflag:$0x0] =	sbarrier.arrive $0xFFFF  }
0xe1: {  	_ =	strace $0x90000047  }
0xe2: {  	s0 =	stileid.u32;
	[bflag:$0x2] =	sbarrier.arrive $0xFFFF  }
0xe3: {  	p0 =	sne.s32 s0, $0x0;
	s0 =	rddreg [dreg:$0x3]  }
0xe4: {  	s0 =	sadd.s32 @!p0 $0x100000, s0  }
0xe5: {  	[sflag:s0] =	ssyncadd.tile.s32 @!p0 $0x1;
	_ =	shalt  }
.Lfunc_end2:
_tile_overlayer_lowered:
.L_overlay_start_2:
0xe6: {  	(tag) =	ssettag $0x2  }
0xe7: {  	s0 =	rddreg [dreg:$0x0];
	s2 =	stileid.u32  }
0xe8: {  	s1 =	rddreg [dreg:$0x1];
	p0 =	sne.s32 s2, $0x0  }
0xe9: {  	s3 =	rddreg [dreg:$0x2];
	[bflag:$0x3] =	sbarrier.arrive $0xFFFF;
	s2 =	simm.s32 @!p0 $0x1C13  }
0xea: {  	[timem:s3], [sflag:s2] =	dma.local @!p0 [hbm:s0], s1  }
0xeb: {  	s0 =	simm.s32 @!p0 $0x13  }
0xec: {  	_ =	swait.ge @!p0 [sflag:s0], s1  }
0xed: {  	s1 =	ssub.s32 @!p0 $0x0, s1;
	[sflag:s0] =	ssyncset.done @!p0 $0x0  }
0xee: {  	[sflag:s0] =	ssyncadd.s32 @!p0 s1  }
0xef: {  	[bflag:$0x3] =	sbarrier.arrive $0xFFFF  }
0xf0: {  	_ =	shalt  }

</sc_bundles>
